<compile_context>
chip_gen: v7x
topology: tpu7x:2x2x1
jax: 0.10.2.dev20260603
libtpu: 0.0.44.dev20260713+nightly
codegen_flags: <defaults>
</compile_context>

<pallas_src>
import jax
import jax.numpy as jnp
from jax import lax
from jax.experimental import pallas as pl
from jax.experimental.pallas import tpu as pltpu
from jax.experimental.pallas import tpu_sc as plsc

N = 10000
D = 128
H = 128
E = 320000
NUM_ITEMS = 128

NC = 2
NS = 16
NW = NC * NS
EPW = E // NW
CH = 80
NCHUNK = EPW // CH
NP = 10240
RPT = NP // NS


def _mesh():
    return plsc.VectorSubcoreMesh(core_axis_name="c", subcore_axis_name="s")


def _deg_call(col2, zeros_n):
    WIN = 8

    def body(col_hbm, zeros_hbm, out_hbm, cidx_all, ones, dbuf, dacc, sem):
        c = lax.axis_index("c")
        s = lax.axis_index("s")
        wid = c * NS + s
        for j in range(CH // 16):
            ones[pl.ds(j * 16, 16)] = jnp.ones((16,), jnp.float32)
        pltpu.sync_copy(col_hbm.at[wid], cidx_all)

        @pl.when(s == 0)
        def _():
            pltpu.sync_copy(zeros_hbm, dbuf)
            pltpu.sync_copy(dbuf, dacc)

        plsc.subcore_barrier()

        def fire(i):
            pltpu.async_copy(ones, dacc.at[cidx_all.at[i]], sem, add=True)

        def drain_one():
            pltpu.make_async_copy(ones, dacc.at[cidx_all.at[0]], sem).wait()

        for i in range(WIN):
            fire(i)

        def step(i, carry):
            drain_one()
            fire(i + WIN)
            return carry

        lax.fori_loop(0, NCHUNK - WIN, step, 0)
        for _ in range(WIN):
            drain_one()
        plsc.subcore_barrier()

        @pl.when(s == 0)
        def _():
            pltpu.sync_copy(dacc, dbuf)
            pltpu.sync_copy(dbuf, out_hbm.at[pl.ds(c * N, N)])

    f = pl.kernel(
        body,
        out_type=jax.ShapeDtypeStruct((NC * N,), jnp.float32),
        mesh=_mesh(),
        scratch_types=[
            pltpu.VMEM((NCHUNK, CH), jnp.int32),
            pltpu.VMEM((CH,), jnp.float32),
            pltpu.VMEM((N,), jnp.float32),
            pltpu.VMEM_SHARED((N,), jnp.float32),
            pltpu.SemaphoreType.DMA,
        ],
    )
    return f(col2, zeros_n)


def _scatter_call(row1, col1, g, zeros_nh):
    def body(row_hbm, col_hbm, g_hbm, zeros_hbm, out_hbm,
             ridx_all, cidx0, cidx1, cidx2, rbuf0, rbuf1, rbuf2, acc,
             gsem0, gsem1, gsem2, ssem0, ssem1, ssem2):
        c = lax.axis_index("c")
        s = lax.axis_index("s")
        wid = c * NS + s

        @pl.when(c == 0)
        def _():
            pltpu.sync_copy(zeros_hbm, acc.at[pl.ds(s * RPT, RPT)])

        @pl.when(jnp.logical_and(c == 1, s < NS - 1))
        def _():
            pltpu.sync_copy(g_hbm.at[pl.ds(s * RPT, RPT)],
                            acc.at[pl.ds(s * RPT, RPT)])

        @pl.when(jnp.logical_and(c == 1, s == NS - 1))
        def _():
            last = N - (NS - 1) * RPT
            pltpu.sync_copy(g_hbm.at[pl.ds((NS - 1) * RPT, last)],
                            acc.at[pl.ds((NS - 1) * RPT, last)])
            pltpu.sync_copy(zeros_hbm.at[pl.ds(0, NP - N)],
                            acc.at[pl.ds(N, NP - N)])

        pltpu.sync_copy(row_hbm.at[pl.ds(wid * EPW, EPW)], ridx_all)

        rbufs = (rbuf0, rbuf1, rbuf2)
        cidxs = (cidx0, cidx1, cidx2)
        gsems = (gsem0, gsem1, gsem2)
        ssems = (ssem0, ssem1, ssem2)

        def gsrc(i):
            return g_hbm.at[ridx_all.at[pl.ds(i * CH, CH)]]

        def csrc(i):
            return col_hbm.at[pl.ds(wid * EPW + i * CH, CH)]

        def fire(i, b):
            pltpu.async_copy(csrc(i), cidxs[b], gsems[b])
            pltpu.async_copy(gsrc(i), rbufs[b], gsems[b])

        def wait_gather(i, b):
            pltpu.make_async_copy(csrc(i), cidxs[b], gsems[b]).wait()
            pltpu.make_async_copy(gsrc(i), rbufs[b], gsems[b]).wait()

        def drain_scatter(b):
            pltpu.make_async_copy(g_hbm.at[pl.ds(0, CH)], rbufs[b], ssems[b]).wait()

        fire(0, 0)
        fire(1, 1)
        plsc.subcore_barrier()

        def handle(i, b, b2, prefetch, first):
            wait_gather(i, b)
            pltpu.async_copy(rbufs[b], acc.at[cidxs[b]], ssems[b], add=True)
            if prefetch:
                if first:
                    fire(i + 2, b2)
                else:
                    drain_scatter(b2)
                    fire(i + 2, b2)

        def step(j, carry):
            i0 = 3 * j

            @pl.when(j == 0)
            def _():
                for b in range(3):
                    handle(b, b, (b + 2) % 3, True, b == 0)

            @pl.when(j > 0)
            def _():
                for b in range(3):
                    i = i0 + b
                    handle(i, b, (b + 2) % 3, True, False)
            return carry

        ngroup = NCHUNK // 3
        lax.fori_loop(0, ngroup, step, 0)
        for i, b in ((NCHUNK - 2, 0), (NCHUNK - 1, 1)):
            wait_gather(i, b)
            pltpu.async_copy(rbufs[b], acc.at[cidxs[b]], ssems[b], add=True)
        for b in range(3):
            drain_scatter(b)

        plsc.subcore_barrier()
        pltpu.sync_copy(
            acc.at[pl.ds(s * RPT, RPT)],
            out_hbm.at[pl.ds(c * NP + s * RPT, RPT)],
        )

    f = pl.kernel(
        body,
        out_type=jax.ShapeDtypeStruct((NC * NP, H), jnp.float32),
        mesh=_mesh(),
        scratch_types=[
            pltpu.VMEM((EPW,), jnp.int32),
            pltpu.VMEM((CH,), jnp.int32),
            pltpu.VMEM((CH,), jnp.int32),
            pltpu.VMEM((CH,), jnp.int32),
            pltpu.VMEM((CH, H), jnp.float32),
            pltpu.VMEM((CH, H), jnp.float32),
            pltpu.VMEM((CH, H), jnp.float32),
            pltpu.VMEM_SHARED((NP, H), jnp.float32),
            pltpu.SemaphoreType.DMA,
            pltpu.SemaphoreType.DMA,
            pltpu.SemaphoreType.DMA,
            pltpu.SemaphoreType.DMA,
            pltpu.SemaphoreType.DMA,
            pltpu.SemaphoreType.DMA,
        ],
    )
    return f(row1, col1, g, zeros_nh)


def _mm_call(x, w, dp2):
    def body(x_ref, w_ref, dp_ref, g_ref, dinv_ref):
        deg = dp_ref[0:1, :] + dp_ref[1:2, :] + 1.0
        dinv_row = lax.rsqrt(deg)
        dinv_col = lax.transpose(dinv_row, (1, 0))
        h = jnp.dot(x_ref[...], w_ref[...], preferred_element_type=jnp.float32)
        g_ref[...] = h * dinv_col
        dinv_ref[...] = dinv_row

    return pl.pallas_call(
        body,
        out_shape=(
            jax.ShapeDtypeStruct((N, H), jnp.float32),
            jax.ShapeDtypeStruct((1, N), jnp.float32),
        ),
    )(x, w, dp2)


def _fin_call(p, dinv, gcn_b, bn_gamma, bn_beta, proj_W, proj_b, item_table):
    def body(p_ref, dinv_ref, b_ref, gam_ref, bet_ref, pw_ref, pb_ref, it_ref,
             scores_ref, rsu_ref):
        s_sum = p_ref[0:N] + p_ref[NP : NP + N]
        dinv_col = lax.transpose(dinv_ref[...], (1, 0))
        agg = dinv_col * s_sum + b_ref[...]
        mean = jnp.sum(agg, axis=0, keepdims=True) * (1.0 / N)
        cen = agg - mean
        var = jnp.sum(cen * cen, axis=0, keepdims=True) * (1.0 / N)
        y0 = cen[0:1, :] * lax.rsqrt(var + 1e-5) * gam_ref[...] + bet_ref[...]
        y0 = jnp.maximum(y0, 0.0)
        rsu = (
            lax.dot_general(y0, pw_ref[...], (((1,), (1,)), ((), ())),
                            preferred_element_type=jnp.float32)
            + pb_ref[...]
        )
        rsu_ref[...] = rsu
        scores_ref[...] = lax.dot_general(rsu, it_ref[...], (((1,), (1,)), ((), ())),
                                          preferred_element_type=jnp.float32)

    return pl.pallas_call(
        body,
        out_shape=(
            jax.ShapeDtypeStruct((1, NUM_ITEMS), jnp.float32),
            jax.ShapeDtypeStruct((1, D), jnp.float32),
        ),
    )(p, dinv, gcn_b, bn_gamma, bn_beta, proj_W, proj_b, item_table)


def kernel(node_feature, edge_index, items_ready_to_cache, gcn_W, gcn_b,
           bn_gamma, bn_beta, proj_W, proj_b, item_table):
    row1 = edge_index[0]
    col1 = edge_index[1]
    col2 = col1.reshape(NW, NCHUNK, CH)
    zeros_n = jnp.zeros((N,), jnp.float32)
    zeros_nh = jnp.zeros((RPT, H), jnp.float32)
    dp = _deg_call(col2, zeros_n)
    g, dinv = _mm_call(node_feature, gcn_W, dp.reshape(2, N))
    p = _scatter_call(row1, col1, g, zeros_nh)
    scores2, rsu = _fin_call(
        p, dinv,
        gcn_b.reshape(1, H), bn_gamma.reshape(1, H), bn_beta.reshape(1, H),
        proj_W, proj_b.reshape(1, D), item_table,
    )
    return scores2.reshape(NUM_ITEMS), rsu

# --- scband reference (transcript-rebuilt; emitter-appended) ---
"""Pipeline reference for scband-actor-gcn-2748779069595 (READ-ONLY COPY).

The authoritative reference and input builder live on the scoring server;
editing this copy changes nothing except your own understanding.
"""

import jax, jax.numpy as jnp
import numpy as np

N = 10000
D = 128
H = 128
E = 320000
NUM_ITEMS = 128


def setup_inputs(seed: int = 0) -> dict:
    key = jax.random.key(seed)
    ks = jax.random.split(key, 10)
    node_feature = jax.random.normal(ks[0], (N, D), dtype=jnp.float32)
    edge_index = jax.random.randint(ks[1], (2, E), 0, N, dtype=jnp.int32)
    items_ready_to_cache = jnp.arange(NUM_ITEMS, dtype=jnp.int32)
    gcn_W = jax.random.normal(ks[2], (D, H), dtype=jnp.float32) * (1.0 / np.sqrt(D))
    gcn_b = jnp.zeros((H,), dtype=jnp.float32)
    bn_gamma = jnp.ones((H,), dtype=jnp.float32)
    bn_beta = jnp.zeros((H,), dtype=jnp.float32)
    proj_W = jax.random.normal(ks[3], (D, H), dtype=jnp.float32) * (1.0 / np.sqrt(H))
    proj_b = jnp.zeros((D,), dtype=jnp.float32)
    item_table = jax.random.normal(ks[4], (D, D), dtype=jnp.float32)
    return {
        "node_feature": node_feature,
        "edge_index": edge_index,
        "items_ready_to_cache": items_ready_to_cache,
        "gcn_W": gcn_W,
        "gcn_b": gcn_b,
        "bn_gamma": bn_gamma,
        "bn_beta": bn_beta,
        "proj_W": proj_W,
        "proj_b": proj_b,
        "item_table": item_table,
    }


def reference(node_feature, edge_index, items_ready_to_cache, gcn_W, gcn_b,
              bn_gamma, bn_beta, proj_W, proj_b, item_table):
    # --- GCNConv (PyG semantics: linear, add self-loops, sym-normalized scatter-add, bias) ---
    h = node_feature @ gcn_W
    loop = jnp.arange(N, dtype=edge_index.dtype)
    row = jnp.concatenate([edge_index[0], loop])  # source
    col = jnp.concatenate([edge_index[1], loop])  # target (aggregation)
    deg = jnp.zeros((N,), jnp.float32).at[col].add(1.0)
    dinv = jnp.where(deg > 0, jax.lax.rsqrt(deg), 0.0)
    norm = dinv[row] * dinv[col]
    msg = h[row] * norm[:, None]
    agg = jnp.zeros((N, H), jnp.float32).at[col].add(msg) + gcn_b
    # --- BatchNorm1d (training-mode batch statistics, biased variance) ---
    mean = jnp.mean(agg, axis=0)
    var = jnp.var(agg, axis=0)
    y = (agg - mean) * jax.lax.rsqrt(var + 1e-5) * bn_gamma + bn_beta
    # --- ReLU ---
    y = jax.nn.relu(y)
    # --- RSU projection on node 0 ---
    rsu_embedding = y[0:1] @ proj_W.T + proj_b  # [1, D]
    # --- item embeddings: item_id_to_index maps each id to its position -> indices == arange(len) ---
    idx = jnp.arange(items_ready_to_cache.shape[0])
    items_embeddings = jnp.take(item_table, idx, axis=0)  # [NUM_ITEMS, D]
    scores = items_embeddings @ rsu_embedding[0]  # [NUM_ITEMS]
    return scores, rsu_embedding

if __name__ == "__main__":
    import jax
    _d = setup_inputs()
    print(jax.jit(kernel)(*tuple(_d.values())))

</pallas_src>

<mosaic_0001>
#map = affine_map<(d0, d1) -> (0, 0, 0)>
#map1 = affine_map<(d0, d1) -> (0)>
module attributes {stable_mosaic.version = 14 : i64} {
  func.func @body(%arg0: i32, %arg1: i32, %arg2: memref<32x125x80xi32, #tpu.memory_space<hbm>>, %arg3: memref<10000xf32, #tpu.memory_space<hbm>>, %arg4: memref<20000xf32, #tpu.memory_space<hbm>>, %arg5: memref<125x80xi32, #tpu.memory_space<vmem>>, %arg6: memref<80xf32, #tpu.memory_space<vmem>>, %arg7: memref<10000xf32, #tpu.memory_space<vmem>>, %arg8: memref<10000xf32, #tpu.memory_space<vmem_shared>>, %arg9: memref<!tpu.dma_semaphore, #tpu.memory_space<semaphore_mem>>) attributes {dimension_semantics = [#tpu.dimension_semantics<core_parallel>, #tpu.dimension_semantics<subcore_parallel>], iteration_bounds = array<i64: 2, 16>, scalar_prefetch = 0 : i64, scratch_operands = 5 : i64, tpu.core_type = #tpu.core_type<sc_vector_subcore>, window_params = [{transform_indices = #map}, {transform_indices = #map1}, {transform_indices = #map1}]} {
    %mul3A = arith.constant 16 : i32
    %mul3A_0 = arith.muli %arg0, %mul3A : i32
    %add3A = arith.addi %mul3A_0, %arg1 : i32
    %broadcast_in_dim3A = arith.constant 1.000000e+00 : f32
    %broadcast_in_dim3A_1 = vector.broadcast %broadcast_in_dim3A : f32 to vector<16xf32>
    %swap3A = arith.constant 0 : index
    %swap3A_2 = tpu.vector_load %arg6[%swap3A] {strides = array<i32>} : memref<80xf32, #tpu.memory_space<vmem>>, vector<16xf32>,
    %swap3A_3 = vector.shape_cast %swap3A_2 : vector<16xf32> to vector<16xf32>
    %swap3A_4 = vector.shape_cast %broadcast_in_dim3A_1 : vector<16xf32> to vector<16xf32>
    tpu.vector_store %arg6[%swap3A], %swap3A_4 {strides = array<i32>} : memref<80xf32, #tpu.memory_space<vmem>>, vector<16xf32>,
    %broadcast_in_dim3A_5 = arith.constant 1.000000e+00 : f32
    %broadcast_in_dim3A_6 = vector.broadcast %broadcast_in_dim3A_5 : f32 to vector<16xf32>
    %swap3A_7 = arith.constant 16 : index
    %swap3A_8 = tpu.vector_load %arg6[%swap3A_7] {strides = array<i32>} : memref<80xf32, #tpu.memory_space<vmem>>, vector<16xf32>,
    %swap3A_9 = vector.shape_cast %swap3A_8 : vector<16xf32> to vector<16xf32>
    %swap3A_10 = vector.shape_cast %broadcast_in_dim3A_6 : vector<16xf32> to vector<16xf32>
    tpu.vector_store %arg6[%swap3A_7], %swap3A_10 {strides = array<i32>} : memref<80xf32, #tpu.memory_space<vmem>>, vector<16xf32>,
    %broadcast_in_dim3A_11 = arith.constant 1.000000e+00 : f32
    %broadcast_in_dim3A_12 = vector.broadcast %broadcast_in_dim3A_11 : f32 to vector<16xf32>
    %swap3A_13 = arith.constant 32 : index
    %swap3A_14 = tpu.vector_load %arg6[%swap3A_13] {strides = array<i32>} : memref<80xf32, #tpu.memory_space<vmem>>, vector<16xf32>,
    %swap3A_15 = vector.shape_cast %swap3A_14 : vector<16xf32> to vector<16xf32>
    %swap3A_16 = vector.shape_cast %broadcast_in_dim3A_12 : vector<16xf32> to vector<16xf32>
    tpu.vector_store %arg6[%swap3A_13], %swap3A_16 {strides = array<i32>} : memref<80xf32, #tpu.memory_space<vmem>>, vector<16xf32>,
    %broadcast_in_dim3A_17 = arith.constant 1.000000e+00 : f32
    %broadcast_in_dim3A_18 = vector.broadcast %broadcast_in_dim3A_17 : f32 to vector<16xf32>
    %swap3A_19 = arith.constant 48 : index
    %swap3A_20 = tpu.vector_load %arg6[%swap3A_19] {strides = array<i32>} : memref<80xf32, #tpu.memory_space<vmem>>, vector<16xf32>,
    %swap3A_21 = vector.shape_cast %swap3A_20 : vector<16xf32> to vector<16xf32>
    %swap3A_22 = vector.shape_cast %broadcast_in_dim3A_18 : vector<16xf32> to vector<16xf32>
    tpu.vector_store %arg6[%swap3A_19], %swap3A_22 {strides = array<i32>} : memref<80xf32, #tpu.memory_space<vmem>>, vector<16xf32>,
    %broadcast_in_dim3A_23 = arith.constant 1.000000e+00 : f32
    %broadcast_in_dim3A_24 = vector.broadcast %broadcast_in_dim3A_23 : f32 to vector<16xf32>
    %swap3A_25 = arith.constant 64 : index
    %swap3A_26 = tpu.vector_load %arg6[%swap3A_25] {strides = array<i32>} : memref<80xf32, #tpu.memory_space<vmem>>, vector<16xf32>,
    %swap3A_27 = vector.shape_cast %swap3A_26 : vector<16xf32> to vector<16xf32>
    %swap3A_28 = vector.shape_cast %broadcast_in_dim3A_24 : vector<16xf32> to vector<16xf32>
    tpu.vector_store %arg6[%swap3A_25], %swap3A_28 {strides = array<i32>} : memref<80xf32, #tpu.memory_space<vmem>>, vector<16xf32>,
    "tpu.region"() ({
      %run_scoped3A = tpu.sem_alloc : memref<!tpu.dma_semaphore, #tpu.memory_space<semaphore_mem>>
      %dma_start3A_136 = arith.constant 0 : i32
      %dma_start3A_137 = arith.constant 0 : i32
      %dma_start3A_138 = tpu.memref_slice %arg2[%add3A, %dma_start3A_136, %dma_start3A_137] : memref<32x125x80xi32, #tpu.memory_space<hbm>> -> memref<1x125x80xi32, #tpu.memory_space<hbm>>
      %dma_start3A_139 = tpu.memref_squeeze %dma_start3A_138 : memref<1x125x80xi32, #tpu.memory_space<hbm>> -> memref<125x80xi32, #tpu.memory_space<hbm>>
      %dma_start3A_140 = arith.constant 0 : i32
      %dma_start3A_141 = arith.constant 0 : i32
      %dma_start3A_142 = tpu.memref_slice %arg2[%add3A, %dma_start3A_140, %dma_start3A_141] : memref<32x125x80xi32, #tpu.memory_space<hbm>> -> memref<1x125x80xi32, #tpu.memory_space<hbm>>
      %dma_start3A_143 = tpu.memref_squeeze %dma_start3A_142 : memref<1x125x80xi32, #tpu.memory_space<hbm>> -> memref<125x80xi32, #tpu.memory_space<hbm>>
      tpu.enqueue_dma source(%dma_start3A_143 : memref<125x80xi32, #tpu.memory_space<hbm>>) target(%arg5 : memref<125x80xi32, #tpu.memory_space<vmem>>) target_semaphore(%run_scoped3A : memref<!tpu.dma_semaphore, #tpu.memory_space<semaphore_mem>>)
      %dma_wait3A_144 = arith.constant 0 : i32
      %dma_wait3A_145 = arith.constant 0 : i32
      %dma_wait3A_146 = tpu.memref_slice %arg2[%add3A, %dma_wait3A_144, %dma_wait3A_145] : memref<32x125x80xi32, #tpu.memory_space<hbm>> -> memref<1x125x80xi32, #tpu.memory_space<hbm>>
      %dma_wait3A_147 = tpu.memref_squeeze %dma_wait3A_146 : memref<1x125x80xi32, #tpu.memory_space<hbm>> -> memref<125x80xi32, #tpu.memory_space<hbm>>
      %dma_wait3A_148 = arith.constant 0 : i32
      %dma_wait3A_149 = arith.constant 0 : i32
      %dma_wait3A_150 = tpu.memref_slice %arg2[%add3A, %dma_wait3A_148, %dma_wait3A_149] : memref<32x125x80xi32, #tpu.memory_space<hbm>> -> memref<1x125x80xi32, #tpu.memory_space<hbm>>
      %dma_wait3A_151 = tpu.memref_squeeze %dma_wait3A_150 : memref<1x125x80xi32, #tpu.memory_space<hbm>> -> memref<125x80xi32, #tpu.memory_space<hbm>>
      tpu.wait_dma2 semaphore(%run_scoped3A : memref<!tpu.dma_semaphore, #tpu.memory_space<semaphore_mem>>) src(%dma_wait3A_151 : memref<125x80xi32, #tpu.memory_space<hbm>>) dst(%arg5 : memref<125x80xi32, #tpu.memory_space<vmem>>)
      tpu.yield
    }) : () -> ()
    %eq3A = arith.constant 0 : i32
    %eq3A_29 = arith.cmpi eq, %arg1, %eq3A : i32
    %convert_element_type3A = arith.extui %eq3A_29 : i1 to i32
    %cond3A = arith.constant 0 : i32
    %cond3A_30 = arith.cmpi ne, %convert_element_type3A, %cond3A : i32
    scf.if %cond3A_30 {
      "tpu.region"() ({
        %run_scoped3A = tpu.sem_alloc : memref<!tpu.dma_semaphore, #tpu.memory_space<semaphore_mem>>
        tpu.enqueue_dma source(%arg3 : memref<10000xf32, #tpu.memory_space<hbm>>) target(%arg7 : memref<10000xf32, #tpu.memory_space<vmem>>) target_semaphore(%run_scoped3A : memref<!tpu.dma_semaphore, #tpu.memory_space<semaphore_mem>>)
        tpu.wait_dma2 semaphore(%run_scoped3A : memref<!tpu.dma_semaphore, #tpu.memory_space<semaphore_mem>>) src(%arg3 : memref<10000xf32, #tpu.memory_space<hbm>>) dst(%arg7 : memref<10000xf32, #tpu.memory_space<vmem>>)
        tpu.yield
      }) : () -> ()
      "tpu.region"() ({
        %run_scoped3A = tpu.sem_alloc : memref<!tpu.dma_semaphore, #tpu.memory_space<semaphore_mem>>
        tpu.enqueue_dma source(%arg7 : memref<10000xf32, #tpu.memory_space<vmem>>) target(%arg8 : memref<10000xf32, #tpu.memory_space<vmem_shared>>) target_semaphore(%run_scoped3A : memref<!tpu.dma_semaphore, #tpu.memory_space<semaphore_mem>>)
        tpu.wait_dma2 semaphore(%run_scoped3A : memref<!tpu.dma_semaphore, #tpu.memory_space<semaphore_mem>>) src(%arg7 : memref<10000xf32, #tpu.memory_space<vmem>>) dst(%arg8 : memref<10000xf32, #tpu.memory_space<vmem_shared>>)
        tpu.yield
      }) : () -> ()
    } else {
    }
    %barrier3A = arith.constant 0 : index
    tpu.barrier barrier_id(%barrier3A)
    %dma_start3A = arith.constant 0 : i32
    %dma_start3A_31 = arith.constant 0 : i32
    %dma_start3A_32 = tpu.memref_slice %arg5[%dma_start3A, %dma_start3A_31] : memref<125x80xi32, #tpu.memory_space<vmem>> -> memref<1x80xi32, #tpu.memory_space<vmem>>
    %dma_start3A_33 = tpu.memref_squeeze %dma_start3A_32 : memref<1x80xi32, #tpu.memory_space<vmem>> -> memref<80xi32, #tpu.memory_space<vmem>>
    %dma_start3A_34 = arith.constant 0 : i32
    %dma_start3A_35 = tpu.memref_slice %arg8[%dma_start3A_34] : memref<10000xf32, #tpu.memory_space<vmem_shared>> -> memref<10000xf32, #tpu.memory_space<vmem_shared>>
    tpu.enqueue_indirect_dma source(%arg6 : memref<80xf32, #tpu.memory_space<vmem>>) target(%dma_start3A_35 : memref<10000xf32, #tpu.memory_space<vmem_shared>>) offsets(%dma_start3A_33 : memref<80xi32, #tpu.memory_space<vmem>>) semaphore(%arg9 : memref<!tpu.dma_semaphore, #tpu.memory_space<semaphore_mem>>) {add = true}
    %dma_start3A_36 = arith.constant 1 : i32
    %dma_start3A_37 = arith.constant 0 : i32
    %dma_start3A_38 = tpu.memref_slice %arg5[%dma_start3A_36, %dma_start3A_37] : memref<125x80xi32, #tpu.memory_space<vmem>> -> memref<1x80xi32, #tpu.memory_space<vmem>>
    %dma_start3A_39 = tpu.memref_squeeze %dma_start3A_38 : memref<1x80xi32, #tpu.memory_space<vmem>> -> memref<80xi32, #tpu.memory_space<vmem>>
    %dma_start3A_40 = arith.constant 0 : i32
    %dma_start3A_41 = tpu.memref_slice %arg8[%dma_start3A_40] : memref<10000xf32, #tpu.memory_space<vmem_shared>> -> memref<10000xf32, #tpu.memory_space<vmem_shared>>
    tpu.enqueue_indirect_dma source(%arg6 : memref<80xf32, #tpu.memory_space<vmem>>) target(%dma_start3A_41 : memref<10000xf32, #tpu.memory_space<vmem_shared>>) offsets(%dma_start3A_39 : memref<80xi32, #tpu.memory_space<vmem>>) semaphore(%arg9 : memref<!tpu.dma_semaphore, #tpu.memory_space<semaphore_mem>>) {add = true}
    %dma_start3A_42 = arith.constant 2 : i32
    %dma_start3A_43 = arith.constant 0 : i32
    %dma_start3A_44 = tpu.memref_slice %arg5[%dma_start3A_42, %dma_start3A_43] : memref<125x80xi32, #tpu.memory_space<vmem>> -> memref<1x80xi32, #tpu.memory_space<vmem>>
    %dma_start3A_45 = tpu.memref_squeeze %dma_start3A_44 : memref<1x80xi32, #tpu.memory_space<vmem>> -> memref<80xi32, #tpu.memory_space<vmem>>
    %dma_start3A_46 = arith.constant 0 : i32
    %dma_start3A_47 = tpu.memref_slice %arg8[%dma_start3A_46] : memref<10000xf32, #tpu.memory_space<vmem_shared>> -> memref<10000xf32, #tpu.memory_space<vmem_shared>>
    tpu.enqueue_indirect_dma source(%arg6 : memref<80xf32, #tpu.memory_space<vmem>>) target(%dma_start3A_47 : memref<10000xf32, #tpu.memory_space<vmem_shared>>) offsets(%dma_start3A_45 : memref<80xi32, #tpu.memory_space<vmem>>) semaphore(%arg9 : memref<!tpu.dma_semaphore, #tpu.memory_space<semaphore_mem>>) {add = true}
    %dma_start3A_48 = arith.constant 3 : i32
    %dma_start3A_49 = arith.constant 0 : i32
    %dma_start3A_50 = tpu.memref_slice %arg5[%dma_start3A_48, %dma_start3A_49] : memref<125x80xi32, #tpu.memory_space<vmem>> -> memref<1x80xi32, #tpu.memory_space<vmem>>
    %dma_start3A_51 = tpu.memref_squeeze %dma_start3A_50 : memref<1x80xi32, #tpu.memory_space<vmem>> -> memref<80xi32, #tpu.memory_space<vmem>>
    %dma_start3A_52 = arith.constant 0 : i32
    %dma_start3A_53 = tpu.memref_slice %arg8[%dma_start3A_52] : memref<10000xf32, #tpu.memory_space<vmem_shared>> -> memref<10000xf32, #tpu.memory_space<vmem_shared>>
    tpu.enqueue_indirect_dma source(%arg6 : memref<80xf32, #tpu.memory_space<vmem>>) target(%dma_start3A_53 : memref<10000xf32, #tpu.memory_space<vmem_shared>>) offsets(%dma_start3A_51 : memref<80xi32, #tpu.memory_space<vmem>>) semaphore(%arg9 : memref<!tpu.dma_semaphore, #tpu.memory_space<semaphore_mem>>) {add = true}
    %dma_start3A_54 = arith.constant 4 : i32
    %dma_start3A_55 = arith.constant 0 : i32
    %dma_start3A_56 = tpu.memref_slice %arg5[%dma_start3A_54, %dma_start3A_55] : memref<125x80xi32, #tpu.memory_space<vmem>> -> memref<1x80xi32, #tpu.memory_space<vmem>>
    %dma_start3A_57 = tpu.memref_squeeze %dma_start3A_56 : memref<1x80xi32, #tpu.memory_space<vmem>> -> memref<80xi32, #tpu.memory_space<vmem>>
    %dma_start3A_58 = arith.constant 0 : i32
    %dma_start3A_59 = tpu.memref_slice %arg8[%dma_start3A_58] : memref<10000xf32, #tpu.memory_space<vmem_shared>> -> memref<10000xf32, #tpu.memory_space<vmem_shared>>
    tpu.enqueue_indirect_dma source(%arg6 : memref<80xf32, #tpu.memory_space<vmem>>) target(%dma_start3A_59 : memref<10000xf32, #tpu.memory_space<vmem_shared>>) offsets(%dma_start3A_57 : memref<80xi32, #tpu.memory_space<vmem>>) semaphore(%arg9 : memref<!tpu.dma_semaphore, #tpu.memory_space<semaphore_mem>>) {add = true}
    %dma_start3A_60 = arith.constant 5 : i32
    %dma_start3A_61 = arith.constant 0 : i32
    %dma_start3A_62 = tpu.memref_slice %arg5[%dma_start3A_60, %dma_start3A_61] : memref<125x80xi32, #tpu.memory_space<vmem>> -> memref<1x80xi32, #tpu.memory_space<vmem>>
    %dma_start3A_63 = tpu.memref_squeeze %dma_start3A_62 : memref<1x80xi32, #tpu.memory_space<vmem>> -> memref<80xi32, #tpu.memory_space<vmem>>
    %dma_start3A_64 = arith.constant 0 : i32
    %dma_start3A_65 = tpu.memref_slice %arg8[%dma_start3A_64] : memref<10000xf32, #tpu.memory_space<vmem_shared>> -> memref<10000xf32, #tpu.memory_space<vmem_shared>>
    tpu.enqueue_indirect_dma source(%arg6 : memref<80xf32, #tpu.memory_space<vmem>>) target(%dma_start3A_65 : memref<10000xf32, #tpu.memory_space<vmem_shared>>) offsets(%dma_start3A_63 : memref<80xi32, #tpu.memory_space<vmem>>) semaphore(%arg9 : memref<!tpu.dma_semaphore, #tpu.memory_space<semaphore_mem>>) {add = true}
    %dma_start3A_66 = arith.constant 6 : i32
    %dma_start3A_67 = arith.constant 0 : i32
    %dma_start3A_68 = tpu.memref_slice %arg5[%dma_start3A_66, %dma_start3A_67] : memref<125x80xi32, #tpu.memory_space<vmem>> -> memref<1x80xi32, #tpu.memory_space<vmem>>
    %dma_start3A_69 = tpu.memref_squeeze %dma_start3A_68 : memref<1x80xi32, #tpu.memory_space<vmem>> -> memref<80xi32, #tpu.memory_space<vmem>>
    %dma_start3A_70 = arith.constant 0 : i32
    %dma_start3A_71 = tpu.memref_slice %arg8[%dma_start3A_70] : memref<10000xf32, #tpu.memory_space<vmem_shared>> -> memref<10000xf32, #tpu.memory_space<vmem_shared>>
    tpu.enqueue_indirect_dma source(%arg6 : memref<80xf32, #tpu.memory_space<vmem>>) target(%dma_start3A_71 : memref<10000xf32, #tpu.memory_space<vmem_shared>>) offsets(%dma_start3A_69 : memref<80xi32, #tpu.memory_space<vmem>>) semaphore(%arg9 : memref<!tpu.dma_semaphore, #tpu.memory_space<semaphore_mem>>) {add = true}
    %dma_start3A_72 = arith.constant 7 : i32
    %dma_start3A_73 = arith.constant 0 : i32
    %dma_start3A_74 = tpu.memref_slice %arg5[%dma_start3A_72, %dma_start3A_73] : memref<125x80xi32, #tpu.memory_space<vmem>> -> memref<1x80xi32, #tpu.memory_space<vmem>>
    %dma_start3A_75 = tpu.memref_squeeze %dma_start3A_74 : memref<1x80xi32, #tpu.memory_space<vmem>> -> memref<80xi32, #tpu.memory_space<vmem>>
    %dma_start3A_76 = arith.constant 0 : i32
    %dma_start3A_77 = tpu.memref_slice %arg8[%dma_start3A_76] : memref<10000xf32, #tpu.memory_space<vmem_shared>> -> memref<10000xf32, #tpu.memory_space<vmem_shared>>
    tpu.enqueue_indirect_dma source(%arg6 : memref<80xf32, #tpu.memory_space<vmem>>) target(%dma_start3A_77 : memref<10000xf32, #tpu.memory_space<vmem_shared>>) offsets(%dma_start3A_75 : memref<80xi32, #tpu.memory_space<vmem>>) semaphore(%arg9 : memref<!tpu.dma_semaphore, #tpu.memory_space<semaphore_mem>>) {add = true}
    %scan3A = arith.constant 0 : i32
    %scan3A_78 = arith.constant 0 : i32
    %scan3A_79 = arith.constant 117 : i32
    %scan3A_80 = arith.addi %scan3A_78, %scan3A_79 : i32
    %scan3A_81 = arith.constant 1 : i32
    scf.for %scan3A_136 = %scan3A_78 to %scan3A_80 step %scan3A_81  : i32 {
      %dma_wait3A_137 = arith.constant 0 : i32
      %dma_wait3A_138 = arith.constant 0 : i32
      %dma_wait3A_139 = tpu.memref_slice %arg5[%dma_wait3A_137, %dma_wait3A_138] : memref<125x80xi32, #tpu.memory_space<vmem>> -> memref<1x80xi32, #tpu.memory_space<vmem>>
      %dma_wait3A_140 = tpu.memref_squeeze %dma_wait3A_139 : memref<1x80xi32, #tpu.memory_space<vmem>> -> memref<80xi32, #tpu.memory_space<vmem>>
      %dma_wait3A_141 = arith.constant 0 : i32
      %dma_wait3A_142 = tpu.memref_slice %arg8[%dma_wait3A_141] : memref<10000xf32, #tpu.memory_space<vmem_shared>> -> memref<10000xf32, #tpu.memory_space<vmem_shared>>
      tpu.wait_indirect_dma semaphore(%arg9 : memref<!tpu.dma_semaphore, #tpu.memory_space<semaphore_mem>>) src(%arg6 : memref<80xf32, #tpu.memory_space<vmem>>) dst(%dma_wait3A_142 : memref<10000xf32, #tpu.memory_space<vmem_shared>>)
      %add3A_143 = arith.constant 8 : i32
      %add3A_144 = arith.addi %scan3A_136, %add3A_143 : i32
      %dma_start3A_145 = arith.constant 0 : i32
      %dma_start3A_146 = tpu.memref_slice %arg5[%add3A_144, %dma_start3A_145] : memref<125x80xi32, #tpu.memory_space<vmem>> -> memref<1x80xi32, #tpu.memory_space<vmem>>
      %dma_start3A_147 = tpu.memref_squeeze %dma_start3A_146 : memref<1x80xi32, #tpu.memory_space<vmem>> -> memref<80xi32, #tpu.memory_space<vmem>>
      %dma_start3A_148 = arith.constant 0 : i32
      %dma_start3A_149 = tpu.memref_slice %arg8[%dma_start3A_148] : memref<10000xf32, #tpu.memory_space<vmem_shared>> -> memref<10000xf32, #tpu.memory_space<vmem_shared>>
      tpu.enqueue_indirect_dma source(%arg6 : memref<80xf32, #tpu.memory_space<vmem>>) target(%dma_start3A_149 : memref<10000xf32, #tpu.memory_space<vmem_shared>>) offsets(%dma_start3A_147 : memref<80xi32, #tpu.memory_space<vmem>>) semaphore(%arg9 : memref<!tpu.dma_semaphore, #tpu.memory_space<semaphore_mem>>) {add = true}
    }
    %scan3A_82 = arith.constant 117 : i32
    %dma_wait3A = arith.constant 0 : i32
    %dma_wait3A_83 = arith.constant 0 : i32
    %dma_wait3A_84 = tpu.memref_slice %arg5[%dma_wait3A, %dma_wait3A_83] : memref<125x80xi32, #tpu.memory_space<vmem>> -> memref<1x80xi32, #tpu.memory_space<vmem>>
    %dma_wait3A_85 = tpu.memref_squeeze %dma_wait3A_84 : memref<1x80xi32, #tpu.memory_space<vmem>> -> memref<80xi32, #tpu.memory_space<vmem>>
    %dma_wait3A_86 = arith.constant 0 : i32
    %dma_wait3A_87 = tpu.memref_slice %arg8[%dma_wait3A_86] : memref<10000xf32, #tpu.memory_space<vmem_shared>> -> memref<10000xf32, #tpu.memory_space<vmem_shared>>
    tpu.wait_indirect_dma semaphore(%arg9 : memref<!tpu.dma_semaphore, #tpu.memory_space<semaphore_mem>>) src(%arg6 : memref<80xf32, #tpu.memory_space<vmem>>) dst(%dma_wait3A_87 : memref<10000xf32, #tpu.memory_space<vmem_shared>>)
    %dma_wait3A_88 = arith.constant 0 : i32
    %dma_wait3A_89 = arith.constant 0 : i32
    %dma_wait3A_90 = tpu.memref_slice %arg5[%dma_wait3A_88, %dma_wait3A_89] : memref<125x80xi32, #tpu.memory_space<vmem>> -> memref<1x80xi32, #tpu.memory_space<vmem>>
    %dma_wait3A_91 = tpu.memref_squeeze %dma_wait3A_90 : memref<1x80xi32, #tpu.memory_space<vmem>> -> memref<80xi32, #tpu.memory_space<vmem>>
    %dma_wait3A_92 = arith.constant 0 : i32
    %dma_wait3A_93 = tpu.memref_slice %arg8[%dma_wait3A_92] : memref<10000xf32, #tpu.memory_space<vmem_shared>> -> memref<10000xf32, #tpu.memory_space<vmem_shared>>
    tpu.wait_indirect_dma semaphore(%arg9 : memref<!tpu.dma_semaphore, #tpu.memory_space<semaphore_mem>>) src(%arg6 : memref<80xf32, #tpu.memory_space<vmem>>) dst(%dma_wait3A_93 : memref<10000xf32, #tpu.memory_space<vmem_shared>>)
    %dma_wait3A_94 = arith.constant 0 : i32
    %dma_wait3A_95 = arith.constant 0 : i32
    %dma_wait3A_96 = tpu.memref_slice %arg5[%dma_wait3A_94, %dma_wait3A_95] : memref<125x80xi32, #tpu.memory_space<vmem>> -> memref<1x80xi32, #tpu.memory_space<vmem>>
    %dma_wait3A_97 = tpu.memref_squeeze %dma_wait3A_96 : memref<1x80xi32, #tpu.memory_space<vmem>> -> memref<80xi32, #tpu.memory_space<vmem>>
    %dma_wait3A_98 = arith.constant 0 : i32
    %dma_wait3A_99 = tpu.memref_slice %arg8[%dma_wait3A_98] : memref<10000xf32, #tpu.memory_space<vmem_shared>> -> memref<10000xf32, #tpu.memory_space<vmem_shared>>
    tpu.wait_indirect_dma semaphore(%arg9 : memref<!tpu.dma_semaphore, #tpu.memory_space<semaphore_mem>>) src(%arg6 : memref<80xf32, #tpu.memory_space<vmem>>) dst(%dma_wait3A_99 : memref<10000xf32, #tpu.memory_space<vmem_shared>>)
    %dma_wait3A_100 = arith.constant 0 : i32
    %dma_wait3A_101 = arith.constant 0 : i32
    %dma_wait3A_102 = tpu.memref_slice %arg5[%dma_wait3A_100, %dma_wait3A_101] : memref<125x80xi32, #tpu.memory_space<vmem>> -> memref<1x80xi32, #tpu.memory_space<vmem>>
    %dma_wait3A_103 = tpu.memref_squeeze %dma_wait3A_102 : memref<1x80xi32, #tpu.memory_space<vmem>> -> memref<80xi32, #tpu.memory_space<vmem>>
    %dma_wait3A_104 = arith.constant 0 : i32
    %dma_wait3A_105 = tpu.memref_slice %arg8[%dma_wait3A_104] : memref<10000xf32, #tpu.memory_space<vmem_shared>> -> memref<10000xf32, #tpu.memory_space<vmem_shared>>
    tpu.wait_indirect_dma semaphore(%arg9 : memref<!tpu.dma_semaphore, #tpu.memory_space<semaphore_mem>>) src(%arg6 : memref<80xf32, #tpu.memory_space<vmem>>) dst(%dma_wait3A_105 : memref<10000xf32, #tpu.memory_space<vmem_shared>>)
    %dma_wait3A_106 = arith.constant 0 : i32
    %dma_wait3A_107 = arith.constant 0 : i32
    %dma_wait3A_108 = tpu.memref_slice %arg5[%dma_wait3A_106, %dma_wait3A_107] : memref<125x80xi32, #tpu.memory_space<vmem>> -> memref<1x80xi32, #tpu.memory_space<vmem>>
    %dma_wait3A_109 = tpu.memref_squeeze %dma_wait3A_108 : memref<1x80xi32, #tpu.memory_space<vmem>> -> memref<80xi32, #tpu.memory_space<vmem>>
    %dma_wait3A_110 = arith.constant 0 : i32
    %dma_wait3A_111 = tpu.memref_slice %arg8[%dma_wait3A_110] : memref<10000xf32, #tpu.memory_space<vmem_shared>> -> memref<10000xf32, #tpu.memory_space<vmem_shared>>
    tpu.wait_indirect_dma semaphore(%arg9 : memref<!tpu.dma_semaphore, #tpu.memory_space<semaphore_mem>>) src(%arg6 : memref<80xf32, #tpu.memory_space<vmem>>) dst(%dma_wait3A_111 : memref<10000xf32, #tpu.memory_space<vmem_shared>>)
    %dma_wait3A_112 = arith.constant 0 : i32
    %dma_wait3A_113 = arith.constant 0 : i32
    %dma_wait3A_114 = tpu.memref_slice %arg5[%dma_wait3A_112, %dma_wait3A_113] : memref<125x80xi32, #tpu.memory_space<vmem>> -> memref<1x80xi32, #tpu.memory_space<vmem>>
    %dma_wait3A_115 = tpu.memref_squeeze %dma_wait3A_114 : memref<1x80xi32, #tpu.memory_space<vmem>> -> memref<80xi32, #tpu.memory_space<vmem>>
    %dma_wait3A_116 = arith.constant 0 : i32
    %dma_wait3A_117 = tpu.memref_slice %arg8[%dma_wait3A_116] : memref<10000xf32, #tpu.memory_space<vmem_shared>> -> memref<10000xf32, #tpu.memory_space<vmem_shared>>
    tpu.wait_indirect_dma semaphore(%arg9 : memref<!tpu.dma_semaphore, #tpu.memory_space<semaphore_mem>>) src(%arg6 : memref<80xf32, #tpu.memory_space<vmem>>) dst(%dma_wait3A_117 : memref<10000xf32, #tpu.memory_space<vmem_shared>>)
    %dma_wait3A_118 = arith.constant 0 : i32
    %dma_wait3A_119 = arith.constant 0 : i32
    %dma_wait3A_120 = tpu.memref_slice %arg5[%dma_wait3A_118, %dma_wait3A_119] : memref<125x80xi32, #tpu.memory_space<vmem>> -> memref<1x80xi32, #tpu.memory_space<vmem>>
    %dma_wait3A_121 = tpu.memref_squeeze %dma_wait3A_120 : memref<1x80xi32, #tpu.memory_space<vmem>> -> memref<80xi32, #tpu.memory_space<vmem>>
    %dma_wait3A_122 = arith.constant 0 : i32
    %dma_wait3A_123 = tpu.memref_slice %arg8[%dma_wait3A_122] : memref<10000xf32, #tpu.memory_space<vmem_shared>> -> memref<10000xf32, #tpu.memory_space<vmem_shared>>
    tpu.wait_indirect_dma semaphore(%arg9 : memref<!tpu.dma_semaphore, #tpu.memory_space<semaphore_mem>>) src(%arg6 : memref<80xf32, #tpu.memory_space<vmem>>) dst(%dma_wait3A_123 : memref<10000xf32, #tpu.memory_space<vmem_shared>>)
    %dma_wait3A_124 = arith.constant 0 : i32
    %dma_wait3A_125 = arith.constant 0 : i32
    %dma_wait3A_126 = tpu.memref_slice %arg5[%dma_wait3A_124, %dma_wait3A_125] : memref<125x80xi32, #tpu.memory_space<vmem>> -> memref<1x80xi32, #tpu.memory_space<vmem>>
    %dma_wait3A_127 = tpu.memref_squeeze %dma_wait3A_126 : memref<1x80xi32, #tpu.memory_space<vmem>> -> memref<80xi32, #tpu.memory_space<vmem>>
    %dma_wait3A_128 = arith.constant 0 : i32
    %dma_wait3A_129 = tpu.memref_slice %arg8[%dma_wait3A_128] : memref<10000xf32, #tpu.memory_space<vmem_shared>> -> memref<10000xf32, #tpu.memory_space<vmem_shared>>
    tpu.wait_indirect_dma semaphore(%arg9 : memref<!tpu.dma_semaphore, #tpu.memory_space<semaphore_mem>>) src(%arg6 : memref<80xf32, #tpu.memory_space<vmem>>) dst(%dma_wait3A_129 : memref<10000xf32, #tpu.memory_space<vmem_shared>>)
    %barrier3A_130 = arith.constant 0 : index
    tpu.barrier barrier_id(%barrier3A_130)
    %eq3A_131 = arith.constant 0 : i32
    %eq3A_132 = arith.cmpi eq, %arg1, %eq3A_131 : i32
    %convert_element_type3A_133 = arith.extui %eq3A_132 : i1 to i32
    %cond3A_134 = arith.constant 0 : i32
    %cond3A_135 = arith.cmpi ne, %convert_element_type3A_133, %cond3A_134 : i32
    scf.if %cond3A_135 {
      "tpu.region"() ({
        %run_scoped3A = tpu.sem_alloc : memref<!tpu.dma_semaphore, #tpu.memory_space<semaphore_mem>>
        tpu.enqueue_dma source(%arg8 : memref<10000xf32, #tpu.memory_space<vmem_shared>>) target(%arg7 : memref<10000xf32, #tpu.memory_space<vmem>>) target_semaphore(%run_scoped3A : memref<!tpu.dma_semaphore, #tpu.memory_space<semaphore_mem>>)
        tpu.wait_dma2 semaphore(%run_scoped3A : memref<!tpu.dma_semaphore, #tpu.memory_space<semaphore_mem>>) src(%arg8 : memref<10000xf32, #tpu.memory_space<vmem_shared>>) dst(%arg7 : memref<10000xf32, #tpu.memory_space<vmem>>)
        tpu.yield
      }) : () -> ()
      %mul3A_136 = arith.constant 10000 : i32
      %mul3A_137 = arith.muli %arg0, %mul3A_136 : i32
      "tpu.region"() ({
        %run_scoped3A = tpu.sem_alloc : memref<!tpu.dma_semaphore, #tpu.memory_space<semaphore_mem>>
        %dma_start3A_138 = tpu.memref_slice %arg4[%mul3A_137] : memref<20000xf32, #tpu.memory_space<hbm>> -> memref<10000xf32, #tpu.memory_space<hbm>>
        %dma_start3A_139 = tpu.memref_slice %arg4[%mul3A_137] : memref<20000xf32, #tpu.memory_space<hbm>> -> memref<10000xf32, #tpu.memory_space<hbm>>
        tpu.enqueue_dma source(%arg7 : memref<10000xf32, #tpu.memory_space<vmem>>) target(%dma_start3A_139 : memref<10000xf32, #tpu.memory_space<hbm>>) target_semaphore(%run_scoped3A : memref<!tpu.dma_semaphore, #tpu.memory_space<semaphore_mem>>)
        %dma_wait3A_140 = tpu.memref_slice %arg4[%mul3A_137] : memref<20000xf32, #tpu.memory_space<hbm>> -> memref<10000xf32, #tpu.memory_space<hbm>>
        %dma_wait3A_141 = tpu.memref_slice %arg4[%mul3A_137] : memref<20000xf32, #tpu.memory_space<hbm>> -> memref<10000xf32, #tpu.memory_space<hbm>>
        tpu.wait_dma2 semaphore(%run_scoped3A : memref<!tpu.dma_semaphore, #tpu.memory_space<semaphore_mem>>) src(%arg7 : memref<10000xf32, #tpu.memory_space<vmem>>) dst(%dma_wait3A_141 : memref<10000xf32, #tpu.memory_space<hbm>>)
        tpu.yield
      }) : () -> ()
    } else {
    }
    return
  }
}

#map = affine_map<(d0, d1) -> (0)>
#map1 = affine_map<(d0, d1) -> (0, 0)>
module attributes {stable_mosaic.version = 14 : i64} {
  func.func @body(%arg0: i32, %arg1: i32, %arg2: memref<320000xi32, #tpu.memory_space<hbm>>, %arg3: memref<320000xi32, #tpu.memory_space<hbm>>, %arg4: memref<10000x128xf32, #tpu.memory_space<hbm>>, %arg5: memref<640x128xf32, #tpu.memory_space<hbm>>, %arg6: memref<20480x128xf32, #tpu.memory_space<hbm>>, %arg7: memref<10000xi32, #tpu.memory_space<vmem>>, %arg8: memref<80xi32, #tpu.memory_space<vmem>>, %arg9: memref<80xi32, #tpu.memory_space<vmem>>, %arg10: memref<80xi32, #tpu.memory_space<vmem>>, %arg11: memref<80x128xf32, #tpu.memory_space<vmem>>, %arg12: memref<80x128xf32, #tpu.memory_space<vmem>>, %arg13: memref<80x128xf32, #tpu.memory_space<vmem>>, %arg14: memref<10240x128xf32, #tpu.memory_space<vmem_shared>>, %arg15: memref<!tpu.dma_semaphore, #tpu.memory_space<semaphore_mem>>, %arg16: memref<!tpu.dma_semaphore, #tpu.memory_space<semaphore_mem>>, %arg17: memref<!tpu.dma_semaphore, #tpu.memory_space<semaphore_mem>>, %arg18: memref<!tpu.dma_semaphore, #tpu.memory_space<semaphore_mem>>, %arg19: memref<!tpu.dma_semaphore, #tpu.memory_space<semaphore_mem>>, %arg20: memref<!tpu.dma_semaphore, #tpu.memory_space<semaphore_mem>>) attributes {dimension_semantics = [#tpu.dimension_semantics<core_parallel>, #tpu.dimension_semantics<subcore_parallel>], iteration_bounds = array<i64: 2, 16>, scalar_prefetch = 0 : i64, scratch_operands = 14 : i64, tpu.core_type = #tpu.core_type<sc_vector_subcore>, window_params = [{transform_indices = #map}, {transform_indices = #map}, {transform_indices = #map1}, {transform_indices = #map1}, {transform_indices = #map1}]} {
    %mul3A = arith.constant 16 : i32
    %mul3A_0 = arith.muli %arg0, %mul3A : i32
    %add3A = arith.addi %mul3A_0, %arg1 : i32
    %eq3A = arith.constant 0 : i32
    %eq3A_1 = arith.cmpi eq, %arg0, %eq3A : i32
    %convert_element_type3A = arith.extui %eq3A_1 : i1 to i32
    %cond3A = arith.constant 0 : i32
    %cond3A_2 = arith.cmpi ne, %convert_element_type3A, %cond3A : i32
    scf.if %cond3A_2 {
      %mul3A_98 = arith.constant 640 : i32
      %mul3A_99 = arith.muli %arg1, %mul3A_98 : i32
      "tpu.region"() ({
        %run_scoped3A = tpu.sem_alloc : memref<!tpu.dma_semaphore, #tpu.memory_space<semaphore_mem>>
        %dma_start3A_100 = arith.constant 0 : i32
        %dma_start3A_101 = tpu.memref_slice %arg14[%mul3A_99, %dma_start3A_100] : memref<10240x128xf32, #tpu.memory_space<vmem_shared>> -> memref<640x128xf32, #tpu.memory_space<vmem_shared>>
        tpu.enqueue_dma source(%arg5 : memref<640x128xf32, #tpu.memory_space<hbm>>) target(%dma_start3A_101 : memref<640x128xf32, #tpu.memory_space<vmem_shared>>) target_semaphore(%run_scoped3A : memref<!tpu.dma_semaphore, #tpu.memory_space<semaphore_mem>>)
        %dma_wait3A_102 = arith.constant 0 : i32
        %dma_wait3A_103 = tpu.memref_slice %arg14[%mul3A_99, %dma_wait3A_102] : memref<10240x128xf32, #tpu.memory_space<vmem_shared>> -> memref<640x128xf32, #tpu.memory_space<vmem_shared>>
        tpu.wait_dma2 semaphore(%run_scoped3A : memref<!tpu.dma_semaphore, #tpu.memory_space<semaphore_mem>>) src(%arg5 : memref<640x128xf32, #tpu.memory_space<hbm>>) dst(%dma_wait3A_103 : memref<640x128xf32, #tpu.memory_space<vmem_shared>>)
        tpu.yield
      }) : () -> ()
    } else {
    }
    %eq3A_3 = arith.constant 1 : i32
    %eq3A_4 = arith.cmpi eq, %arg0, %eq3A_3 : i32
    %lt3A = arith.constant 15 : i32
    %lt3A_5 = arith.cmpi slt, %arg1, %lt3A : i32
    %and3A = arith.andi %eq3A_4, %lt3A_5 : i1
    %convert_element_type3A_6 = arith.extui %and3A : i1 to i32
    %cond3A_7 = arith.constant 0 : i32
    %cond3A_8 = arith.cmpi ne, %convert_element_type3A_6, %cond3A_7 : i32
    scf.if %cond3A_8 {
      %mul3A_98 = arith.constant 640 : i32
      %mul3A_99 = arith.muli %arg1, %mul3A_98 : i32
      %mul3A_100 = arith.constant 640 : i32
      %mul3A_101 = arith.muli %arg1, %mul3A_100 : i32
      "tpu.region"() ({
        %run_scoped3A = tpu.sem_alloc : memref<!tpu.dma_semaphore, #tpu.memory_space<semaphore_mem>>
        %dma_start3A_102 = arith.constant 0 : i32
        %dma_start3A_103 = tpu.memref_slice %arg14[%mul3A_101, %dma_start3A_102] : memref<10240x128xf32, #tpu.memory_space<vmem_shared>> -> memref<640x128xf32, #tpu.memory_space<vmem_shared>>
        %dma_start3A_104 = arith.constant 0 : i32
        %dma_start3A_105 = tpu.memref_slice %arg4[%mul3A_99, %dma_start3A_104] : memref<10000x128xf32, #tpu.memory_space<hbm>> -> memref<640x128xf32, #tpu.memory_space<hbm>>
        tpu.enqueue_dma source(%dma_start3A_105 : memref<640x128xf32, #tpu.memory_space<hbm>>) target(%dma_start3A_103 : memref<640x128xf32, #tpu.memory_space<vmem_shared>>) target_semaphore(%run_scoped3A : memref<!tpu.dma_semaphore, #tpu.memory_space<semaphore_mem>>)
        %dma_wait3A_106 = arith.constant 0 : i32
        %dma_wait3A_107 = tpu.memref_slice %arg14[%mul3A_101, %dma_wait3A_106] : memref<10240x128xf32, #tpu.memory_space<vmem_shared>> -> memref<640x128xf32, #tpu.memory_space<vmem_shared>>
        %dma_wait3A_108 = arith.constant 0 : i32
        %dma_wait3A_109 = tpu.memref_slice %arg4[%mul3A_99, %dma_wait3A_108] : memref<10000x128xf32, #tpu.memory_space<hbm>> -> memref<640x128xf32, #tpu.memory_space<hbm>>
        tpu.wait_dma2 semaphore(%run_scoped3A : memref<!tpu.dma_semaphore, #tpu.memory_space<semaphore_mem>>) src(%dma_wait3A_109 : memref<640x128xf32, #tpu.memory_space<hbm>>) dst(%dma_wait3A_107 : memref<640x128xf32, #tpu.memory_space<vmem_shared>>)
        tpu.yield
      }) : () -> ()
    } else {
    }
    %eq3A_9 = arith.constant 1 : i32
    %eq3A_10 = arith.cmpi eq, %arg0, %eq3A_9 : i32
    %eq3A_11 = arith.constant 15 : i32
    %eq3A_12 = arith.cmpi eq, %arg1, %eq3A_11 : i32
    %and3A_13 = arith.andi %eq3A_10, %eq3A_12 : i1
    %convert_element_type3A_14 = arith.extui %and3A_13 : i1 to i32
    %cond3A_15 = arith.constant 0 : i32
    %cond3A_16 = arith.cmpi ne, %convert_element_type3A_14, %cond3A_15 : i32
    scf.if %cond3A_16 {
      "tpu.region"() ({
        %run_scoped3A = tpu.sem_alloc : memref<!tpu.dma_semaphore, #tpu.memory_space<semaphore_mem>>
        %dma_start3A_98 = arith.constant 9600 : i32
        %dma_start3A_99 = arith.constant 0 : i32
        %dma_start3A_100 = tpu.memref_slice %arg14[%dma_start3A_98, %dma_start3A_99] : memref<10240x128xf32, #tpu.memory_space<vmem_shared>> -> memref<400x128xf32, #tpu.memory_space<vmem_shared>>
        %dma_start3A_101 = arith.constant 9600 : i32
        %dma_start3A_102 = arith.constant 0 : i32
        %dma_start3A_103 = tpu.memref_slice %arg4[%dma_start3A_101, %dma_start3A_102] : memref<10000x128xf32, #tpu.memory_space<hbm>> -> memref<400x128xf32, #tpu.memory_space<hbm>>
        tpu.enqueue_dma source(%dma_start3A_103 : memref<400x128xf32, #tpu.memory_space<hbm>>) target(%dma_start3A_100 : memref<400x128xf32, #tpu.memory_space<vmem_shared>>) target_semaphore(%run_scoped3A : memref<!tpu.dma_semaphore, #tpu.memory_space<semaphore_mem>>)
        %dma_wait3A_104 = arith.constant 9600 : i32
        %dma_wait3A_105 = arith.constant 0 : i32
        %dma_wait3A_106 = tpu.memref_slice %arg14[%dma_wait3A_104, %dma_wait3A_105] : memref<10240x128xf32, #tpu.memory_space<vmem_shared>> -> memref<400x128xf32, #tpu.memory_space<vmem_shared>>
        %dma_wait3A_107 = arith.constant 9600 : i32
        %dma_wait3A_108 = arith.constant 0 : i32
        %dma_wait3A_109 = tpu.memref_slice %arg4[%dma_wait3A_107, %dma_wait3A_108] : memref<10000x128xf32, #tpu.memory_space<hbm>> -> memref<400x128xf32, #tpu.memory_space<hbm>>
        tpu.wait_dma2 semaphore(%run_scoped3A : memref<!tpu.dma_semaphore, #tpu.memory_space<semaphore_mem>>) src(%dma_wait3A_109 : memref<400x128xf32, #tpu.memory_space<hbm>>) dst(%dma_wait3A_106 : memref<400x128xf32, #tpu.memory_space<vmem_shared>>)
        tpu.yield
      }) : () -> ()
      "tpu.region"() ({
        %run_scoped3A = tpu.sem_alloc : memref<!tpu.dma_semaphore, #tpu.memory_space<semaphore_mem>>
        %dma_start3A_98 = arith.constant 10000 : i32
        %dma_start3A_99 = arith.constant 0 : i32
        %dma_start3A_100 = tpu.memref_slice %arg14[%dma_start3A_98, %dma_start3A_99] : memref<10240x128xf32, #tpu.memory_space<vmem_shared>> -> memref<240x128xf32, #tpu.memory_space<vmem_shared>>
        %dma_start3A_101 = arith.constant 0 : i32
        %dma_start3A_102 = arith.constant 0 : i32
        %dma_start3A_103 = tpu.memref_slice %arg5[%dma_start3A_101, %dma_start3A_102] : memref<640x128xf32, #tpu.memory_space<hbm>> -> memref<240x128xf32, #tpu.memory_space<hbm>>
        tpu.enqueue_dma source(%dma_start3A_103 : memref<240x128xf32, #tpu.memory_space<hbm>>) target(%dma_start3A_100 : memref<240x128xf32, #tpu.memory_space<vmem_shared>>) target_semaphore(%run_scoped3A : memref<!tpu.dma_semaphore, #tpu.memory_space<semaphore_mem>>)
        %dma_wait3A_104 = arith.constant 10000 : i32
        %dma_wait3A_105 = arith.constant 0 : i32
        %dma_wait3A_106 = tpu.memref_slice %arg14[%dma_wait3A_104, %dma_wait3A_105] : memref<10240x128xf32, #tpu.memory_space<vmem_shared>> -> memref<240x128xf32, #tpu.memory_space<vmem_shared>>
        %dma_wait3A_107 = arith.constant 0 : i32
        %dma_wait3A_108 = arith.constant 0 : i32
        %dma_wait3A_109 = tpu.memref_slice %arg5[%dma_wait3A_107, %dma_wait3A_108] : memref<640x128xf32, #tpu.memory_space<hbm>> -> memref<240x128xf32, #tpu.memory_space<hbm>>
        tpu.wait_dma2 semaphore(%run_scoped3A : memref<!tpu.dma_semaphore, #tpu.memory_space<semaphore_mem>>) src(%dma_wait3A_109 : memref<240x128xf32, #tpu.memory_space<hbm>>) dst(%dma_wait3A_106 : memref<240x128xf32, #tpu.memory_space<vmem_shared>>)
        tpu.yield
      }) : () -> ()
    } else {
    }
    %mul3A_17 = arith.constant 10000 : i32
    %mul3A_18 = arith.muli %add3A, %mul3A_17 : i32
    "tpu.region"() ({
      %run_scoped3A = tpu.sem_alloc : memref<!tpu.dma_semaphore, #tpu.memory_space<semaphore_mem>>
      %dma_start3A_98 = tpu.memref_slice %arg2[%mul3A_18] : memref<320000xi32, #tpu.memory_space<hbm>> -> memref<10000xi32, #tpu.memory_space<hbm>>
      %dma_start3A_99 = tpu.memref_slice %arg2[%mul3A_18] : memref<320000xi32, #tpu.memory_space<hbm>> -> memref<10000xi32, #tpu.memory_space<hbm>>
      tpu.enqueue_dma source(%dma_start3A_99 : memref<10000xi32, #tpu.memory_space<hbm>>) target(%arg7 : memref<10000xi32, #tpu.memory_space<vmem>>) target_semaphore(%run_scoped3A : memref<!tpu.dma_semaphore, #tpu.memory_space<semaphore_mem>>)
      %dma_wait3A_100 = tpu.memref_slice %arg2[%mul3A_18] : memref<320000xi32, #tpu.memory_space<hbm>> -> memref<10000xi32, #tpu.memory_space<hbm>>
      %dma_wait3A_101 = tpu.memref_slice %arg2[%mul3A_18] : memref<320000xi32, #tpu.memory_space<hbm>> -> memref<10000xi32, #tpu.memory_space<hbm>>
      tpu.wait_dma2 semaphore(%run_scoped3A : memref<!tpu.dma_semaphore, #tpu.memory_space<semaphore_mem>>) src(%dma_wait3A_101 : memref<10000xi32, #tpu.memory_space<hbm>>) dst(%arg7 : memref<10000xi32, #tpu.memory_space<vmem>>)
      tpu.yield
    }) : () -> ()
    %mul3A_19 = arith.constant 10000 : i32
    %mul3A_20 = arith.muli %add3A, %mul3A_19 : i32
    %add3A_21 = arith.constant 0 : i32
    %add3A_22 = arith.addi %mul3A_20, %add3A_21 : i32
    %dma_start3A = tpu.memref_slice %arg3[%add3A_22] : memref<320000xi32, #tpu.memory_space<hbm>> -> memref<80xi32, #tpu.memory_space<hbm>>
    %dma_start3A_23 = tpu.memref_slice %arg3[%add3A_22] : memref<320000xi32, #tpu.memory_space<hbm>> -> memref<80xi32, #tpu.memory_space<hbm>>
    tpu.enqueue_dma source(%dma_start3A_23 : memref<80xi32, #tpu.memory_space<hbm>>) target(%arg8 : memref<80xi32, #tpu.memory_space<vmem>>) target_semaphore(%arg15 : memref<!tpu.dma_semaphore, #tpu.memory_space<semaphore_mem>>)
    %dma_start3A_24 = arith.constant 0 : i32
    %dma_start3A_25 = tpu.memref_slice %arg7[%dma_start3A_24] : memref<10000xi32, #tpu.memory_space<vmem>> -> memref<80xi32, #tpu.memory_space<vmem>>
    %dma_start3A_26 = arith.constant 0 : i32
    %dma_start3A_27 = arith.constant 0 : i32
    %dma_start3A_28 = tpu.memref_slice %arg4[%dma_start3A_26, %dma_start3A_27] : memref<10000x128xf32, #tpu.memory_space<hbm>> -> memref<10000x128xf32, #tpu.memory_space<hbm>>
    tpu.enqueue_indirect_dma source(%dma_start3A_28 : memref<10000x128xf32, #tpu.memory_space<hbm>>) target(%arg11 : memref<80x128xf32, #tpu.memory_space<vmem>>) offsets(%dma_start3A_25 : memref<80xi32, #tpu.memory_space<vmem>>) semaphore(%arg15 : memref<!tpu.dma_semaphore, #tpu.memory_space<semaphore_mem>>)
    %mul3A_29 = arith.constant 10000 : i32
    %mul3A_30 = arith.muli %add3A, %mul3A_29 : i32
    %add3A_31 = arith.constant 80 : i32
    %add3A_32 = arith.addi %mul3A_30, %add3A_31 : i32
    %dma_start3A_33 = tpu.memref_slice %arg3[%add3A_32] : memref<320000xi32, #tpu.memory_space<hbm>> -> memref<80xi32, #tpu.memory_space<hbm>>
    %dma_start3A_34 = tpu.memref_slice %arg3[%add3A_32] : memref<320000xi32, #tpu.memory_space<hbm>> -> memref<80xi32, #tpu.memory_space<hbm>>
    tpu.enqueue_dma source(%dma_start3A_34 : memref<80xi32, #tpu.memory_space<hbm>>) target(%arg9 : memref<80xi32, #tpu.memory_space<vmem>>) target_semaphore(%arg16 : memref<!tpu.dma_semaphore, #tpu.memory_space<semaphore_mem>>)
    %dma_start3A_35 = arith.constant 80 : i32
    %dma_start3A_36 = tpu.memref_slice %arg7[%dma_start3A_35] : memref<10000xi32, #tpu.memory_space<vmem>> -> memref<80xi32, #tpu.memory_space<vmem>>
    %dma_start3A_37 = arith.constant 0 : i32
    %dma_start3A_38 = arith.constant 0 : i32
    %dma_start3A_39 = tpu.memref_slice %arg4[%dma_start3A_37, %dma_start3A_38] : memref<10000x128xf32, #tpu.memory_space<hbm>> -> memref<10000x128xf32, #tpu.memory_space<hbm>>
    tpu.enqueue_indirect_dma source(%dma_start3A_39 : memref<10000x128xf32, #tpu.memory_space<hbm>>) target(%arg12 : memref<80x128xf32, #tpu.memory_space<vmem>>) offsets(%dma_start3A_36 : memref<80xi32, #tpu.memory_space<vmem>>) semaphore(%arg16 : memref<!tpu.dma_semaphore, #tpu.memory_space<semaphore_mem>>)
    %barrier3A = arith.constant 0 : index
    tpu.barrier barrier_id(%barrier3A)
    %scan3A = arith.constant 0 : i32
    %scan3A_40 = arith.constant 0 : i32
    %scan3A_41 = arith.constant 41 : i32
    %scan3A_42 = arith.addi %scan3A_40, %scan3A_41 : i32
    %scan3A_43 = arith.constant 1 : i32
    scf.for %scan3A_98 = %scan3A_40 to %scan3A_42 step %scan3A_43  : i32 {
      %mul3A_99 = arith.constant 3 : i32
      %mul3A_100 = arith.muli %mul3A_99, %scan3A_98 : i32
      %eq3A_101 = arith.constant 0 : i32
      %eq3A_102 = arith.cmpi eq, %scan3A_98, %eq3A_101 : i32
      %convert_element_type3A_103 = arith.extui %eq3A_102 : i1 to i32
      %cond3A_104 = arith.constant 0 : i32
      %cond3A_105 = arith.cmpi ne, %convert_element_type3A_103, %cond3A_104 : i32
      scf.if %cond3A_105 {
        %mul3A_110 = arith.constant 10000 : i32
        %mul3A_111 = arith.muli %add3A, %mul3A_110 : i32
        %add3A_112 = arith.constant 0 : i32
        %add3A_113 = arith.addi %mul3A_111, %add3A_112 : i32
        %dma_wait3A_114 = tpu.memref_slice %arg3[%add3A_113] : memref<320000xi32, #tpu.memory_space<hbm>> -> memref<80xi32, #tpu.memory_space<hbm>>
        %dma_wait3A_115 = tpu.memref_slice %arg3[%add3A_113] : memref<320000xi32, #tpu.memory_space<hbm>> -> memref<80xi32, #tpu.memory_space<hbm>>
        tpu.wait_dma2 semaphore(%arg15 : memref<!tpu.dma_semaphore, #tpu.memory_space<semaphore_mem>>) src(%dma_wait3A_115 : memref<80xi32, #tpu.memory_space<hbm>>) dst(%arg8 : memref<80xi32, #tpu.memory_space<vmem>>)
        %dma_wait3A_116 = arith.constant 0 : i32
        %dma_wait3A_117 = tpu.memref_slice %arg7[%dma_wait3A_116] : memref<10000xi32, #tpu.memory_space<vmem>> -> memref<80xi32, #tpu.memory_space<vmem>>
        %dma_wait3A_118 = arith.constant 0 : i32
        %dma_wait3A_119 = arith.constant 0 : i32
        %dma_wait3A_120 = tpu.memref_slice %arg4[%dma_wait3A_118, %dma_wait3A_119] : memref<10000x128xf32, #tpu.memory_space<hbm>> -> memref<10000x128xf32, #tpu.memory_space<hbm>>
        tpu.wait_indirect_dma semaphore(%arg15 : memref<!tpu.dma_semaphore, #tpu.memory_space<semaphore_mem>>) src(%dma_wait3A_120 : memref<10000x128xf32, #tpu.memory_space<hbm>>) dst(%arg11 : memref<80x128xf32, #tpu.memory_space<vmem>>)
        %dma_start3A_121 = arith.constant 0 : i32
        %dma_start3A_122 = arith.constant 0 : i32
        %dma_start3A_123 = tpu.memref_slice %arg14[%dma_start3A_121, %dma_start3A_122] : memref<10240x128xf32, #tpu.memory_space<vmem_shared>> -> memref<10240x128xf32, #tpu.memory_space<vmem_shared>>
        tpu.enqueue_indirect_dma source(%arg11 : memref<80x128xf32, #tpu.memory_space<vmem>>) target(%dma_start3A_123 : memref<10240x128xf32, #tpu.memory_space<vmem_shared>>) offsets(%arg8 : memref<80xi32, #tpu.memory_space<vmem>>) semaphore(%arg18 : memref<!tpu.dma_semaphore, #tpu.memory_space<semaphore_mem>>) {add = true}
        %mul3A_124 = arith.constant 10000 : i32
        %mul3A_125 = arith.muli %add3A, %mul3A_124 : i32
        %add3A_126 = arith.constant 160 : i32
        %add3A_127 = arith.addi %mul3A_125, %add3A_126 : i32
        %dma_start3A_128 = tpu.memref_slice %arg3[%add3A_127] : memref<320000xi32, #tpu.memory_space<hbm>> -> memref<80xi32, #tpu.memory_space<hbm>>
        %dma_start3A_129 = tpu.memref_slice %arg3[%add3A_127] : memref<320000xi32, #tpu.memory_space<hbm>> -> memref<80xi32, #tpu.memory_space<hbm>>
        tpu.enqueue_dma source(%dma_start3A_129 : memref<80xi32, #tpu.memory_space<hbm>>) target(%arg10 : memref<80xi32, #tpu.memory_space<vmem>>) target_semaphore(%arg17 : memref<!tpu.dma_semaphore, #tpu.memory_space<semaphore_mem>>)
        %dma_start3A_130 = arith.constant 160 : i32
        %dma_start3A_131 = tpu.memref_slice %arg7[%dma_start3A_130] : memref<10000xi32, #tpu.memory_space<vmem>> -> memref<80xi32, #tpu.memory_space<vmem>>
        %dma_start3A_132 = arith.constant 0 : i32
        %dma_start3A_133 = arith.constant 0 : i32
        %dma_start3A_134 = tpu.memref_slice %arg4[%dma_start3A_132, %dma_start3A_133] : memref<10000x128xf32, #tpu.memory_space<hbm>> -> memref<10000x128xf32, #tpu.memory_space<hbm>>
        tpu.enqueue_indirect_dma source(%dma_start3A_134 : memref<10000x128xf32, #tpu.memory_space<hbm>>) target(%arg13 : memref<80x128xf32, #tpu.memory_space<vmem>>) offsets(%dma_start3A_131 : memref<80xi32, #tpu.memory_space<vmem>>) semaphore(%arg17 : memref<!tpu.dma_semaphore, #tpu.memory_space<semaphore_mem>>)
        %mul3A_135 = arith.constant 10000 : i32
        %mul3A_136 = arith.muli %add3A, %mul3A_135 : i32
        %add3A_137 = arith.constant 80 : i32
        %add3A_138 = arith.addi %mul3A_136, %add3A_137 : i32
        %dma_wait3A_139 = tpu.memref_slice %arg3[%add3A_138] : memref<320000xi32, #tpu.memory_space<hbm>> -> memref<80xi32, #tpu.memory_space<hbm>>
        %dma_wait3A_140 = tpu.memref_slice %arg3[%add3A_138] : memref<320000xi32, #tpu.memory_space<hbm>> -> memref<80xi32, #tpu.memory_space<hbm>>
        tpu.wait_dma2 semaphore(%arg16 : memref<!tpu.dma_semaphore, #tpu.memory_space<semaphore_mem>>) src(%dma_wait3A_140 : memref<80xi32, #tpu.memory_space<hbm>>) dst(%arg9 : memref<80xi32, #tpu.memory_space<vmem>>)
        %dma_wait3A_141 = arith.constant 80 : i32
        %dma_wait3A_142 = tpu.memref_slice %arg7[%dma_wait3A_141] : memref<10000xi32, #tpu.memory_space<vmem>> -> memref<80xi32, #tpu.memory_space<vmem>>
        %dma_wait3A_143 = arith.constant 0 : i32
        %dma_wait3A_144 = arith.constant 0 : i32
        %dma_wait3A_145 = tpu.memref_slice %arg4[%dma_wait3A_143, %dma_wait3A_144] : memref<10000x128xf32, #tpu.memory_space<hbm>> -> memref<10000x128xf32, #tpu.memory_space<hbm>>
        tpu.wait_indirect_dma semaphore(%arg16 : memref<!tpu.dma_semaphore, #tpu.memory_space<semaphore_mem>>) src(%dma_wait3A_145 : memref<10000x128xf32, #tpu.memory_space<hbm>>) dst(%arg12 : memref<80x128xf32, #tpu.memory_space<vmem>>)
        %dma_start3A_146 = arith.constant 0 : i32
        %dma_start3A_147 = arith.constant 0 : i32
        %dma_start3A_148 = tpu.memref_slice %arg14[%dma_start3A_146, %dma_start3A_147] : memref<10240x128xf32, #tpu.memory_space<vmem_shared>> -> memref<10240x128xf32, #tpu.memory_space<vmem_shared>>
        tpu.enqueue_indirect_dma source(%arg12 : memref<80x128xf32, #tpu.memory_space<vmem>>) target(%dma_start3A_148 : memref<10240x128xf32, #tpu.memory_space<vmem_shared>>) offsets(%arg9 : memref<80xi32, #tpu.memory_space<vmem>>) semaphore(%arg19 : memref<!tpu.dma_semaphore, #tpu.memory_space<semaphore_mem>>) {add = true}
        %dma_wait3A_149 = arith.constant 0 : i32
        %dma_wait3A_150 = arith.constant 0 : i32
        %dma_wait3A_151 = tpu.memref_slice %arg4[%dma_wait3A_149, %dma_wait3A_150] : memref<10000x128xf32, #tpu.memory_space<hbm>> -> memref<80x128xf32, #tpu.memory_space<hbm>>
        %dma_wait3A_152 = arith.constant 0 : i32
        %dma_wait3A_153 = arith.constant 0 : i32
        %dma_wait3A_154 = tpu.memref_slice %arg4[%dma_wait3A_152, %dma_wait3A_153] : memref<10000x128xf32, #tpu.memory_space<hbm>> -> memref<80x128xf32, #tpu.memory_space<hbm>>
        tpu.wait_dma2 semaphore(%arg18 : memref<!tpu.dma_semaphore, #tpu.memory_space<semaphore_mem>>) src(%dma_wait3A_154 : memref<80x128xf32, #tpu.memory_space<hbm>>) dst(%arg11 : memref<80x128xf32, #tpu.memory_space<vmem>>)
        %mul3A_155 = arith.constant 10000 : i32
        %mul3A_156 = arith.muli %add3A, %mul3A_155 : i32
        %add3A_157 = arith.constant 240 : i32
        %add3A_158 = arith.addi %mul3A_156, %add3A_157 : i32
        %dma_start3A_159 = tpu.memref_slice %arg3[%add3A_158] : memref<320000xi32, #tpu.memory_space<hbm>> -> memref<80xi32, #tpu.memory_space<hbm>>
        %dma_start3A_160 = tpu.memref_slice %arg3[%add3A_158] : memref<320000xi32, #tpu.memory_space<hbm>> -> memref<80xi32, #tpu.memory_space<hbm>>
        tpu.enqueue_dma source(%dma_start3A_160 : memref<80xi32, #tpu.memory_space<hbm>>) target(%arg8 : memref<80xi32, #tpu.memory_space<vmem>>) target_semaphore(%arg15 : memref<!tpu.dma_semaphore, #tpu.memory_space<semaphore_mem>>)
        %dma_start3A_161 = arith.constant 240 : i32
        %dma_start3A_162 = tpu.memref_slice %arg7[%dma_start3A_161] : memref<10000xi32, #tpu.memory_space<vmem>> -> memref<80xi32, #tpu.memory_space<vmem>>
        %dma_start3A_163 = arith.constant 0 : i32
        %dma_start3A_164 = arith.constant 0 : i32
        %dma_start3A_165 = tpu.memref_slice %arg4[%dma_start3A_163, %dma_start3A_164] : memref<10000x128xf32, #tpu.memory_space<hbm>> -> memref<10000x128xf32, #tpu.memory_space<hbm>>
        tpu.enqueue_indirect_dma source(%dma_start3A_165 : memref<10000x128xf32, #tpu.memory_space<hbm>>) target(%arg11 : memref<80x128xf32, #tpu.memory_space<vmem>>) offsets(%dma_start3A_162 : memref<80xi32, #tpu.memory_space<vmem>>) semaphore(%arg15 : memref<!tpu.dma_semaphore, #tpu.memory_space<semaphore_mem>>)
        %mul3A_166 = arith.constant 10000 : i32
        %mul3A_167 = arith.muli %add3A, %mul3A_166 : i32
        %add3A_168 = arith.constant 160 : i32
        %add3A_169 = arith.addi %mul3A_167, %add3A_168 : i32
        %dma_wait3A_170 = tpu.memref_slice %arg3[%add3A_169] : memref<320000xi32, #tpu.memory_space<hbm>> -> memref<80xi32, #tpu.memory_space<hbm>>
        %dma_wait3A_171 = tpu.memref_slice %arg3[%add3A_169] : memref<320000xi32, #tpu.memory_space<hbm>> -> memref<80xi32, #tpu.memory_space<hbm>>
        tpu.wait_dma2 semaphore(%arg17 : memref<!tpu.dma_semaphore, #tpu.memory_space<semaphore_mem>>) src(%dma_wait3A_171 : memref<80xi32, #tpu.memory_space<hbm>>) dst(%arg10 : memref<80xi32, #tpu.memory_space<vmem>>)
        %dma_wait3A_172 = arith.constant 160 : i32
        %dma_wait3A_173 = tpu.memref_slice %arg7[%dma_wait3A_172] : memref<10000xi32, #tpu.memory_space<vmem>> -> memref<80xi32, #tpu.memory_space<vmem>>
        %dma_wait3A_174 = arith.constant 0 : i32
        %dma_wait3A_175 = arith.constant 0 : i32
        %dma_wait3A_176 = tpu.memref_slice %arg4[%dma_wait3A_174, %dma_wait3A_175] : memref<10000x128xf32, #tpu.memory_space<hbm>> -> memref<10000x128xf32, #tpu.memory_space<hbm>>
        tpu.wait_indirect_dma semaphore(%arg17 : memref<!tpu.dma_semaphore, #tpu.memory_space<semaphore_mem>>) src(%dma_wait3A_176 : memref<10000x128xf32, #tpu.memory_space<hbm>>) dst(%arg13 : memref<80x128xf32, #tpu.memory_space<vmem>>)
        %dma_start3A_177 = arith.constant 0 : i32
        %dma_start3A_178 = arith.constant 0 : i32
        %dma_start3A_179 = tpu.memref_slice %arg14[%dma_start3A_177, %dma_start3A_178] : memref<10240x128xf32, #tpu.memory_space<vmem_shared>> -> memref<10240x128xf32, #tpu.memory_space<vmem_shared>>
        tpu.enqueue_indirect_dma source(%arg13 : memref<80x128xf32, #tpu.memory_space<vmem>>) target(%dma_start3A_179 : memref<10240x128xf32, #tpu.memory_space<vmem_shared>>) offsets(%arg10 : memref<80xi32, #tpu.memory_space<vmem>>) semaphore(%arg20 : memref<!tpu.dma_semaphore, #tpu.memory_space<semaphore_mem>>) {add = true}
        %dma_wait3A_180 = arith.constant 0 : i32
        %dma_wait3A_181 = arith.constant 0 : i32
        %dma_wait3A_182 = tpu.memref_slice %arg4[%dma_wait3A_180, %dma_wait3A_181] : memref<10000x128xf32, #tpu.memory_space<hbm>> -> memref<80x128xf32, #tpu.memory_space<hbm>>
        %dma_wait3A_183 = arith.constant 0 : i32
        %dma_wait3A_184 = arith.constant 0 : i32
        %dma_wait3A_185 = tpu.memref_slice %arg4[%dma_wait3A_183, %dma_wait3A_184] : memref<10000x128xf32, #tpu.memory_space<hbm>> -> memref<80x128xf32, #tpu.memory_space<hbm>>
        tpu.wait_dma2 semaphore(%arg19 : memref<!tpu.dma_semaphore, #tpu.memory_space<semaphore_mem>>) src(%dma_wait3A_185 : memref<80x128xf32, #tpu.memory_space<hbm>>) dst(%arg12 : memref<80x128xf32, #tpu.memory_space<vmem>>)
        %mul3A_186 = arith.constant 10000 : i32
        %mul3A_187 = arith.muli %add3A, %mul3A_186 : i32
        %add3A_188 = arith.constant 320 : i32
        %add3A_189 = arith.addi %mul3A_187, %add3A_188 : i32
        %dma_start3A_190 = tpu.memref_slice %arg3[%add3A_189] : memref<320000xi32, #tpu.memory_space<hbm>> -> memref<80xi32, #tpu.memory_space<hbm>>
        %dma_start3A_191 = tpu.memref_slice %arg3[%add3A_189] : memref<320000xi32, #tpu.memory_space<hbm>> -> memref<80xi32, #tpu.memory_space<hbm>>
        tpu.enqueue_dma source(%dma_start3A_191 : memref<80xi32, #tpu.memory_space<hbm>>) target(%arg9 : memref<80xi32, #tpu.memory_space<vmem>>) target_semaphore(%arg16 : memref<!tpu.dma_semaphore, #tpu.memory_space<semaphore_mem>>)
        %dma_start3A_192 = arith.constant 320 : i32
        %dma_start3A_193 = tpu.memref_slice %arg7[%dma_start3A_192] : memref<10000xi32, #tpu.memory_space<vmem>> -> memref<80xi32, #tpu.memory_space<vmem>>
        %dma_start3A_194 = arith.constant 0 : i32
        %dma_start3A_195 = arith.constant 0 : i32
        %dma_start3A_196 = tpu.memref_slice %arg4[%dma_start3A_194, %dma_start3A_195] : memref<10000x128xf32, #tpu.memory_space<hbm>> -> memref<10000x128xf32, #tpu.memory_space<hbm>>
        tpu.enqueue_indirect_dma source(%dma_start3A_196 : memref<10000x128xf32, #tpu.memory_space<hbm>>) target(%arg12 : memref<80x128xf32, #tpu.memory_space<vmem>>) offsets(%dma_start3A_193 : memref<80xi32, #tpu.memory_space<vmem>>) semaphore(%arg16 : memref<!tpu.dma_semaphore, #tpu.memory_space<semaphore_mem>>)
      } else {
      }
      %gt3A = arith.constant 0 : i32
      %gt3A_106 = arith.cmpi sgt, %scan3A_98, %gt3A : i32
      %convert_element_type3A_107 = arith.extui %gt3A_106 : i1 to i32
      %cond3A_108 = arith.constant 0 : i32
      %cond3A_109 = arith.cmpi ne, %convert_element_type3A_107, %cond3A_108 : i32
      scf.if %cond3A_109 {
        %add3A_110 = arith.constant 0 : i32
        %add3A_111 = arith.addi %mul3A_100, %add3A_110 : i32
        %mul3A_112 = arith.constant 10000 : i32
        %mul3A_113 = arith.muli %add3A, %mul3A_112 : i32
        %mul3A_114 = arith.constant 80 : i32
        %mul3A_115 = arith.muli %add3A_111, %mul3A_114 : i32
        %add3A_116 = arith.addi %mul3A_113, %mul3A_115 : i32
        %dma_wait3A_117 = tpu.memref_slice %arg3[%add3A_116] : memref<320000xi32, #tpu.memory_space<hbm>> -> memref<80xi32, #tpu.memory_space<hbm>>
        %dma_wait3A_118 = tpu.memref_slice %arg3[%add3A_116] : memref<320000xi32, #tpu.memory_space<hbm>> -> memref<80xi32, #tpu.memory_space<hbm>>
        tpu.wait_dma2 semaphore(%arg15 : memref<!tpu.dma_semaphore, #tpu.memory_space<semaphore_mem>>) src(%dma_wait3A_118 : memref<80xi32, #tpu.memory_space<hbm>>) dst(%arg8 : memref<80xi32, #tpu.memory_space<vmem>>)
        %mul3A_119 = arith.constant 80 : i32
        %mul3A_120 = arith.muli %add3A_111, %mul3A_119 : i32
        %dma_wait3A_121 = tpu.memref_slice %arg7[%mul3A_120] : memref<10000xi32, #tpu.memory_space<vmem>> -> memref<80xi32, #tpu.memory_space<vmem>>
        %dma_wait3A_122 = arith.constant 0 : i32
        %dma_wait3A_123 = arith.constant 0 : i32
        %dma_wait3A_124 = tpu.memref_slice %arg4[%dma_wait3A_122, %dma_wait3A_123] : memref<10000x128xf32, #tpu.memory_space<hbm>> -> memref<10000x128xf32, #tpu.memory_space<hbm>>
        tpu.wait_indirect_dma semaphore(%arg15 : memref<!tpu.dma_semaphore, #tpu.memory_space<semaphore_mem>>) src(%dma_wait3A_124 : memref<10000x128xf32, #tpu.memory_space<hbm>>) dst(%arg11 : memref<80x128xf32, #tpu.memory_space<vmem>>)
        %dma_start3A_125 = arith.constant 0 : i32
        %dma_start3A_126 = arith.constant 0 : i32
        %dma_start3A_127 = tpu.memref_slice %arg14[%dma_start3A_125, %dma_start3A_126] : memref<10240x128xf32, #tpu.memory_space<vmem_shared>> -> memref<10240x128xf32, #tpu.memory_space<vmem_shared>>
        tpu.enqueue_indirect_dma source(%arg11 : memref<80x128xf32, #tpu.memory_space<vmem>>) target(%dma_start3A_127 : memref<10240x128xf32, #tpu.memory_space<vmem_shared>>) offsets(%arg8 : memref<80xi32, #tpu.memory_space<vmem>>) semaphore(%arg18 : memref<!tpu.dma_semaphore, #tpu.memory_space<semaphore_mem>>) {add = true}
        %dma_wait3A_128 = arith.constant 0 : i32
        %dma_wait3A_129 = arith.constant 0 : i32
        %dma_wait3A_130 = tpu.memref_slice %arg4[%dma_wait3A_128, %dma_wait3A_129] : memref<10000x128xf32, #tpu.memory_space<hbm>> -> memref<80x128xf32, #tpu.memory_space<hbm>>
        %dma_wait3A_131 = arith.constant 0 : i32
        %dma_wait3A_132 = arith.constant 0 : i32
        %dma_wait3A_133 = tpu.memref_slice %arg4[%dma_wait3A_131, %dma_wait3A_132] : memref<10000x128xf32, #tpu.memory_space<hbm>> -> memref<80x128xf32, #tpu.memory_space<hbm>>
        tpu.wait_dma2 semaphore(%arg20 : memref<!tpu.dma_semaphore, #tpu.memory_space<semaphore_mem>>) src(%dma_wait3A_133 : memref<80x128xf32, #tpu.memory_space<hbm>>) dst(%arg13 : memref<80x128xf32, #tpu.memory_space<vmem>>)
        %add3A_134 = arith.constant 2 : i32
        %add3A_135 = arith.addi %add3A_111, %add3A_134 : i32
        %mul3A_136 = arith.constant 10000 : i32
        %mul3A_137 = arith.muli %add3A, %mul3A_136 : i32
        %mul3A_138 = arith.constant 80 : i32
        %mul3A_139 = arith.muli %add3A_135, %mul3A_138 : i32
        %add3A_140 = arith.addi %mul3A_137, %mul3A_139 : i32
        %dma_start3A_141 = tpu.memref_slice %arg3[%add3A_140] : memref<320000xi32, #tpu.memory_space<hbm>> -> memref<80xi32, #tpu.memory_space<hbm>>
        %dma_start3A_142 = tpu.memref_slice %arg3[%add3A_140] : memref<320000xi32, #tpu.memory_space<hbm>> -> memref<80xi32, #tpu.memory_space<hbm>>
        tpu.enqueue_dma source(%dma_start3A_142 : memref<80xi32, #tpu.memory_space<hbm>>) target(%arg10 : memref<80xi32, #tpu.memory_space<vmem>>) target_semaphore(%arg17 : memref<!tpu.dma_semaphore, #tpu.memory_space<semaphore_mem>>)
        %mul3A_143 = arith.constant 80 : i32
        %mul3A_144 = arith.muli %add3A_135, %mul3A_143 : i32
        %dma_start3A_145 = tpu.memref_slice %arg7[%mul3A_144] : memref<10000xi32, #tpu.memory_space<vmem>> -> memref<80xi32, #tpu.memory_space<vmem>>
        %dma_start3A_146 = arith.constant 0 : i32
        %dma_start3A_147 = arith.constant 0 : i32
        %dma_start3A_148 = tpu.memref_slice %arg4[%dma_start3A_146, %dma_start3A_147] : memref<10000x128xf32, #tpu.memory_space<hbm>> -> memref<10000x128xf32, #tpu.memory_space<hbm>>
        tpu.enqueue_indirect_dma source(%dma_start3A_148 : memref<10000x128xf32, #tpu.memory_space<hbm>>) target(%arg13 : memref<80x128xf32, #tpu.memory_space<vmem>>) offsets(%dma_start3A_145 : memref<80xi32, #tpu.memory_space<vmem>>) semaphore(%arg17 : memref<!tpu.dma_semaphore, #tpu.memory_space<semaphore_mem>>)
        %add3A_149 = arith.constant 1 : i32
        %add3A_150 = arith.addi %mul3A_100, %add3A_149 : i32
        %mul3A_151 = arith.constant 10000 : i32
        %mul3A_152 = arith.muli %add3A, %mul3A_151 : i32
        %mul3A_153 = arith.constant 80 : i32
        %mul3A_154 = arith.muli %add3A_150, %mul3A_153 : i32
        %add3A_155 = arith.addi %mul3A_152, %mul3A_154 : i32
        %dma_wait3A_156 = tpu.memref_slice %arg3[%add3A_155] : memref<320000xi32, #tpu.memory_space<hbm>> -> memref<80xi32, #tpu.memory_space<hbm>>
        %dma_wait3A_157 = tpu.memref_slice %arg3[%add3A_155] : memref<320000xi32, #tpu.memory_space<hbm>> -> memref<80xi32, #tpu.memory_space<hbm>>
        tpu.wait_dma2 semaphore(%arg16 : memref<!tpu.dma_semaphore, #tpu.memory_space<semaphore_mem>>) src(%dma_wait3A_157 : memref<80xi32, #tpu.memory_space<hbm>>) dst(%arg9 : memref<80xi32, #tpu.memory_space<vmem>>)
        %mul3A_158 = arith.constant 80 : i32
        %mul3A_159 = arith.muli %add3A_150, %mul3A_158 : i32
        %dma_wait3A_160 = tpu.memref_slice %arg7[%mul3A_159] : memref<10000xi32, #tpu.memory_space<vmem>> -> memref<80xi32, #tpu.memory_space<vmem>>
        %dma_wait3A_161 = arith.constant 0 : i32
        %dma_wait3A_162 = arith.constant 0 : i32
        %dma_wait3A_163 = tpu.memref_slice %arg4[%dma_wait3A_161, %dma_wait3A_162] : memref<10000x128xf32, #tpu.memory_space<hbm>> -> memref<10000x128xf32, #tpu.memory_space<hbm>>
        tpu.wait_indirect_dma semaphore(%arg16 : memref<!tpu.dma_semaphore, #tpu.memory_space<semaphore_mem>>) src(%dma_wait3A_163 : memref<10000x128xf32, #tpu.memory_space<hbm>>) dst(%arg12 : memref<80x128xf32, #tpu.memory_space<vmem>>)
        %dma_start3A_164 = arith.constant 0 : i32
        %dma_start3A_165 = arith.constant 0 : i32
        %dma_start3A_166 = tpu.memref_slice %arg14[%dma_start3A_164, %dma_start3A_165] : memref<10240x128xf32, #tpu.memory_space<vmem_shared>> -> memref<10240x128xf32, #tpu.memory_space<vmem_shared>>
        tpu.enqueue_indirect_dma source(%arg12 : memref<80x128xf32, #tpu.memory_space<vmem>>) target(%dma_start3A_166 : memref<10240x128xf32, #tpu.memory_space<vmem_shared>>) offsets(%arg9 : memref<80xi32, #tpu.memory_space<vmem>>) semaphore(%arg19 : memref<!tpu.dma_semaphore, #tpu.memory_space<semaphore_mem>>) {add = true}
        %dma_wait3A_167 = arith.constant 0 : i32
        %dma_wait3A_168 = arith.constant 0 : i32
        %dma_wait3A_169 = tpu.memref_slice %arg4[%dma_wait3A_167, %dma_wait3A_168] : memref<10000x128xf32, #tpu.memory_space<hbm>> -> memref<80x128xf32, #tpu.memory_space<hbm>>
        %dma_wait3A_170 = arith.constant 0 : i32
        %dma_wait3A_171 = arith.constant 0 : i32
        %dma_wait3A_172 = tpu.memref_slice %arg4[%dma_wait3A_170, %dma_wait3A_171] : memref<10000x128xf32, #tpu.memory_space<hbm>> -> memref<80x128xf32, #tpu.memory_space<hbm>>
        tpu.wait_dma2 semaphore(%arg18 : memref<!tpu.dma_semaphore, #tpu.memory_space<semaphore_mem>>) src(%dma_wait3A_172 : memref<80x128xf32, #tpu.memory_space<hbm>>) dst(%arg11 : memref<80x128xf32, #tpu.memory_space<vmem>>)
        %add3A_173 = arith.constant 2 : i32
        %add3A_174 = arith.addi %add3A_150, %add3A_173 : i32
        %mul3A_175 = arith.constant 10000 : i32
        %mul3A_176 = arith.muli %add3A, %mul3A_175 : i32
        %mul3A_177 = arith.constant 80 : i32
        %mul3A_178 = arith.muli %add3A_174, %mul3A_177 : i32
        %add3A_179 = arith.addi %mul3A_176, %mul3A_178 : i32
        %dma_start3A_180 = tpu.memref_slice %arg3[%add3A_179] : memref<320000xi32, #tpu.memory_space<hbm>> -> memref<80xi32, #tpu.memory_space<hbm>>
        %dma_start3A_181 = tpu.memref_slice %arg3[%add3A_179] : memref<320000xi32, #tpu.memory_space<hbm>> -> memref<80xi32, #tpu.memory_space<hbm>>
        tpu.enqueue_dma source(%dma_start3A_181 : memref<80xi32, #tpu.memory_space<hbm>>) target(%arg8 : memref<80xi32, #tpu.memory_space<vmem>>) target_semaphore(%arg15 : memref<!tpu.dma_semaphore, #tpu.memory_space<semaphore_mem>>)
        %mul3A_182 = arith.constant 80 : i32
        %mul3A_183 = arith.muli %add3A_174, %mul3A_182 : i32
        %dma_start3A_184 = tpu.memref_slice %arg7[%mul3A_183] : memref<10000xi32, #tpu.memory_space<vmem>> -> memref<80xi32, #tpu.memory_space<vmem>>
        %dma_start3A_185 = arith.constant 0 : i32
        %dma_start3A_186 = arith.constant 0 : i32
        %dma_start3A_187 = tpu.memref_slice %arg4[%dma_start3A_185, %dma_start3A_186] : memref<10000x128xf32, #tpu.memory_space<hbm>> -> memref<10000x128xf32, #tpu.memory_space<hbm>>
        tpu.enqueue_indirect_dma source(%dma_start3A_187 : memref<10000x128xf32, #tpu.memory_space<hbm>>) target(%arg11 : memref<80x128xf32, #tpu.memory_space<vmem>>) offsets(%dma_start3A_184 : memref<80xi32, #tpu.memory_space<vmem>>) semaphore(%arg15 : memref<!tpu.dma_semaphore, #tpu.memory_space<semaphore_mem>>)
        %add3A_188 = arith.constant 2 : i32
        %add3A_189 = arith.addi %mul3A_100, %add3A_188 : i32
        %mul3A_190 = arith.constant 10000 : i32
        %mul3A_191 = arith.muli %add3A, %mul3A_190 : i32
        %mul3A_192 = arith.constant 80 : i32
        %mul3A_193 = arith.muli %add3A_189, %mul3A_192 : i32
        %add3A_194 = arith.addi %mul3A_191, %mul3A_193 : i32
        %dma_wait3A_195 = tpu.memref_slice %arg3[%add3A_194] : memref<320000xi32, #tpu.memory_space<hbm>> -> memref<80xi32, #tpu.memory_space<hbm>>
        %dma_wait3A_196 = tpu.memref_slice %arg3[%add3A_194] : memref<320000xi32, #tpu.memory_space<hbm>> -> memref<80xi32, #tpu.memory_space<hbm>>
        tpu.wait_dma2 semaphore(%arg17 : memref<!tpu.dma_semaphore, #tpu.memory_space<semaphore_mem>>) src(%dma_wait3A_196 : memref<80xi32, #tpu.memory_space<hbm>>) dst(%arg10 : memref<80xi32, #tpu.memory_space<vmem>>)
        %mul3A_197 = arith.constant 80 : i32
        %mul3A_198 = arith.muli %add3A_189, %mul3A_197 : i32
        %dma_wait3A_199 = tpu.memref_slice %arg7[%mul3A_198] : memref<10000xi32, #tpu.memory_space<vmem>> -> memref<80xi32, #tpu.memory_space<vmem>>
        %dma_wait3A_200 = arith.constant 0 : i32
        %dma_wait3A_201 = arith.constant 0 : i32
        %dma_wait3A_202 = tpu.memref_slice %arg4[%dma_wait3A_200, %dma_wait3A_201] : memref<10000x128xf32, #tpu.memory_space<hbm>> -> memref<10000x128xf32, #tpu.memory_space<hbm>>
        tpu.wait_indirect_dma semaphore(%arg17 : memref<!tpu.dma_semaphore, #tpu.memory_space<semaphore_mem>>) src(%dma_wait3A_202 : memref<10000x128xf32, #tpu.memory_space<hbm>>) dst(%arg13 : memref<80x128xf32, #tpu.memory_space<vmem>>)
        %dma_start3A_203 = arith.constant 0 : i32
        %dma_start3A_204 = arith.constant 0 : i32
        %dma_start3A_205 = tpu.memref_slice %arg14[%dma_start3A_203, %dma_start3A_204] : memref<10240x128xf32, #tpu.memory_space<vmem_shared>> -> memref<10240x128xf32, #tpu.memory_space<vmem_shared>>
        tpu.enqueue_indirect_dma source(%arg13 : memref<80x128xf32, #tpu.memory_space<vmem>>) target(%dma_start3A_205 : memref<10240x128xf32, #tpu.memory_space<vmem_shared>>) offsets(%arg10 : memref<80xi32, #tpu.memory_space<vmem>>) semaphore(%arg20 : memref<!tpu.dma_semaphore, #tpu.memory_space<semaphore_mem>>) {add = true}
        %dma_wait3A_206 = arith.constant 0 : i32
        %dma_wait3A_207 = arith.constant 0 : i32
        %dma_wait3A_208 = tpu.memref_slice %arg4[%dma_wait3A_206, %dma_wait3A_207] : memref<10000x128xf32, #tpu.memory_space<hbm>> -> memref<80x128xf32, #tpu.memory_space<hbm>>
        %dma_wait3A_209 = arith.constant 0 : i32
        %dma_wait3A_210 = arith.constant 0 : i32
        %dma_wait3A_211 = tpu.memref_slice %arg4[%dma_wait3A_209, %dma_wait3A_210] : memref<10000x128xf32, #tpu.memory_space<hbm>> -> memref<80x128xf32, #tpu.memory_space<hbm>>
        tpu.wait_dma2 semaphore(%arg19 : memref<!tpu.dma_semaphore, #tpu.memory_space<semaphore_mem>>) src(%dma_wait3A_211 : memref<80x128xf32, #tpu.memory_space<hbm>>) dst(%arg12 : memref<80x128xf32, #tpu.memory_space<vmem>>)
        %add3A_212 = arith.constant 2 : i32
        %add3A_213 = arith.addi %add3A_189, %add3A_212 : i32
        %mul3A_214 = arith.constant 10000 : i32
        %mul3A_215 = arith.muli %add3A, %mul3A_214 : i32
        %mul3A_216 = arith.constant 80 : i32
        %mul3A_217 = arith.muli %add3A_213, %mul3A_216 : i32
        %add3A_218 = arith.addi %mul3A_215, %mul3A_217 : i32
        %dma_start3A_219 = tpu.memref_slice %arg3[%add3A_218] : memref<320000xi32, #tpu.memory_space<hbm>> -> memref<80xi32, #tpu.memory_space<hbm>>
        %dma_start3A_220 = tpu.memref_slice %arg3[%add3A_218] : memref<320000xi32, #tpu.memory_space<hbm>> -> memref<80xi32, #tpu.memory_space<hbm>>
        tpu.enqueue_dma source(%dma_start3A_220 : memref<80xi32, #tpu.memory_space<hbm>>) target(%arg9 : memref<80xi32, #tpu.memory_space<vmem>>) target_semaphore(%arg16 : memref<!tpu.dma_semaphore, #tpu.memory_space<semaphore_mem>>)
        %mul3A_221 = arith.constant 80 : i32
        %mul3A_222 = arith.muli %add3A_213, %mul3A_221 : i32
        %dma_start3A_223 = tpu.memref_slice %arg7[%mul3A_222] : memref<10000xi32, #tpu.memory_space<vmem>> -> memref<80xi32, #tpu.memory_space<vmem>>
        %dma_start3A_224 = arith.constant 0 : i32
        %dma_start3A_225 = arith.constant 0 : i32
        %dma_start3A_226 = tpu.memref_slice %arg4[%dma_start3A_224, %dma_start3A_225] : memref<10000x128xf32, #tpu.memory_space<hbm>> -> memref<10000x128xf32, #tpu.memory_space<hbm>>
        tpu.enqueue_indirect_dma source(%dma_start3A_226 : memref<10000x128xf32, #tpu.memory_space<hbm>>) target(%arg12 : memref<80x128xf32, #tpu.memory_space<vmem>>) offsets(%dma_start3A_223 : memref<80xi32, #tpu.memory_space<vmem>>) semaphore(%arg16 : memref<!tpu.dma_semaphore, #tpu.memory_space<semaphore_mem>>)
      } else {
      }
    }
    %scan3A_44 = arith.constant 41 : i32
    %mul3A_45 = arith.constant 10000 : i32
    %mul3A_46 = arith.muli %add3A, %mul3A_45 : i32
    %add3A_47 = arith.constant 9840 : i32
    %add3A_48 = arith.addi %mul3A_46, %add3A_47 : i32
    %dma_wait3A = tpu.memref_slice %arg3[%add3A_48] : memref<320000xi32, #tpu.memory_space<hbm>> -> memref<80xi32, #tpu.memory_space<hbm>>
    %dma_wait3A_49 = tpu.memref_slice %arg3[%add3A_48] : memref<320000xi32, #tpu.memory_space<hbm>> -> memref<80xi32, #tpu.memory_space<hbm>>
    tpu.wait_dma2 semaphore(%arg15 : memref<!tpu.dma_semaphore, #tpu.memory_space<semaphore_mem>>) src(%dma_wait3A_49 : memref<80xi32, #tpu.memory_space<hbm>>) dst(%arg8 : memref<80xi32, #tpu.memory_space<vmem>>)
    %dma_wait3A_50 = arith.constant 9840 : i32
    %dma_wait3A_51 = tpu.memref_slice %arg7[%dma_wait3A_50] : memref<10000xi32, #tpu.memory_space<vmem>> -> memref<80xi32, #tpu.memory_space<vmem>>
    %dma_wait3A_52 = arith.constant 0 : i32
    %dma_wait3A_53 = arith.constant 0 : i32
    %dma_wait3A_54 = tpu.memref_slice %arg4[%dma_wait3A_52, %dma_wait3A_53] : memref<10000x128xf32, #tpu.memory_space<hbm>> -> memref<10000x128xf32, #tpu.memory_space<hbm>>
    tpu.wait_indirect_dma semaphore(%arg15 : memref<!tpu.dma_semaphore, #tpu.memory_space<semaphore_mem>>) src(%dma_wait3A_54 : memref<10000x128xf32, #tpu.memory_space<hbm>>) dst(%arg11 : memref<80x128xf32, #tpu.memory_space<vmem>>)
    %dma_start3A_55 = arith.constant 0 : i32
    %dma_start3A_56 = arith.constant 0 : i32
    %dma_start3A_57 = tpu.memref_slice %arg14[%dma_start3A_55, %dma_start3A_56] : memref<10240x128xf32, #tpu.memory_space<vmem_shared>> -> memref<10240x128xf32, #tpu.memory_space<vmem_shared>>
    tpu.enqueue_indirect_dma source(%arg11 : memref<80x128xf32, #tpu.memory_space<vmem>>) target(%dma_start3A_57 : memref<10240x128xf32, #tpu.memory_space<vmem_shared>>) offsets(%arg8 : memref<80xi32, #tpu.memory_space<vmem>>) semaphore(%arg18 : memref<!tpu.dma_semaphore, #tpu.memory_space<semaphore_mem>>) {add = true}
    %mul3A_58 = arith.constant 10000 : i32
    %mul3A_59 = arith.muli %add3A, %mul3A_58 : i32
    %add3A_60 = arith.constant 9920 : i32
    %add3A_61 = arith.addi %mul3A_59, %add3A_60 : i32
    %dma_wait3A_62 = tpu.memref_slice %arg3[%add3A_61] : memref<320000xi32, #tpu.memory_space<hbm>> -> memref<80xi32, #tpu.memory_space<hbm>>
    %dma_wait3A_63 = tpu.memref_slice %arg3[%add3A_61] : memref<320000xi32, #tpu.memory_space<hbm>> -> memref<80xi32, #tpu.memory_space<hbm>>
    tpu.wait_dma2 semaphore(%arg16 : memref<!tpu.dma_semaphore, #tpu.memory_space<semaphore_mem>>) src(%dma_wait3A_63 : memref<80xi32, #tpu.memory_space<hbm>>) dst(%arg9 : memref<80xi32, #tpu.memory_space<vmem>>)
    %dma_wait3A_64 = arith.constant 9920 : i32
    %dma_wait3A_65 = tpu.memref_slice %arg7[%dma_wait3A_64] : memref<10000xi32, #tpu.memory_space<vmem>> -> memref<80xi32, #tpu.memory_space<vmem>>
    %dma_wait3A_66 = arith.constant 0 : i32
    %dma_wait3A_67 = arith.constant 0 : i32
    %dma_wait3A_68 = tpu.memref_slice %arg4[%dma_wait3A_66, %dma_wait3A_67] : memref<10000x128xf32, #tpu.memory_space<hbm>> -> memref<10000x128xf32, #tpu.memory_space<hbm>>
    tpu.wait_indirect_dma semaphore(%arg16 : memref<!tpu.dma_semaphore, #tpu.memory_space<semaphore_mem>>) src(%dma_wait3A_68 : memref<10000x128xf32, #tpu.memory_space<hbm>>) dst(%arg12 : memref<80x128xf32, #tpu.memory_space<vmem>>)
    %dma_start3A_69 = arith.constant 0 : i32
    %dma_start3A_70 = arith.constant 0 : i32
    %dma_start3A_71 = tpu.memref_slice %arg14[%dma_start3A_69, %dma_start3A_70] : memref<10240x128xf32, #tpu.memory_space<vmem_shared>> -> memref<10240x128xf32, #tpu.memory_space<vmem_shared>>
    tpu.enqueue_indirect_dma source(%arg12 : memref<80x128xf32, #tpu.memory_space<vmem>>) target(%dma_start3A_71 : memref<10240x128xf32, #tpu.memory_space<vmem_shared>>) offsets(%arg9 : memref<80xi32, #tpu.memory_space<vmem>>) semaphore(%arg19 : memref<!tpu.dma_semaphore, #tpu.memory_space<semaphore_mem>>) {add = true}
    %dma_wait3A_72 = arith.constant 0 : i32
    %dma_wait3A_73 = arith.constant 0 : i32
    %dma_wait3A_74 = tpu.memref_slice %arg4[%dma_wait3A_72, %dma_wait3A_73] : memref<10000x128xf32, #tpu.memory_space<hbm>> -> memref<80x128xf32, #tpu.memory_space<hbm>>
    %dma_wait3A_75 = arith.constant 0 : i32
    %dma_wait3A_76 = arith.constant 0 : i32
    %dma_wait3A_77 = tpu.memref_slice %arg4[%dma_wait3A_75, %dma_wait3A_76] : memref<10000x128xf32, #tpu.memory_space<hbm>> -> memref<80x128xf32, #tpu.memory_space<hbm>>
    tpu.wait_dma2 semaphore(%arg18 : memref<!tpu.dma_semaphore, #tpu.memory_space<semaphore_mem>>) src(%dma_wait3A_77 : memref<80x128xf32, #tpu.memory_space<hbm>>) dst(%arg11 : memref<80x128xf32, #tpu.memory_space<vmem>>)
    %dma_wait3A_78 = arith.constant 0 : i32
    %dma_wait3A_79 = arith.constant 0 : i32
    %dma_wait3A_80 = tpu.memref_slice %arg4[%dma_wait3A_78, %dma_wait3A_79] : memref<10000x128xf32, #tpu.memory_space<hbm>> -> memref<80x128xf32, #tpu.memory_space<hbm>>
    %dma_wait3A_81 = arith.constant 0 : i32
    %dma_wait3A_82 = arith.constant 0 : i32
    %dma_wait3A_83 = tpu.memref_slice %arg4[%dma_wait3A_81, %dma_wait3A_82] : memref<10000x128xf32, #tpu.memory_space<hbm>> -> memref<80x128xf32, #tpu.memory_space<hbm>>
    tpu.wait_dma2 semaphore(%arg19 : memref<!tpu.dma_semaphore, #tpu.memory_space<semaphore_mem>>) src(%dma_wait3A_83 : memref<80x128xf32, #tpu.memory_space<hbm>>) dst(%arg12 : memref<80x128xf32, #tpu.memory_space<vmem>>)
    %dma_wait3A_84 = arith.constant 0 : i32
    %dma_wait3A_85 = arith.constant 0 : i32
    %dma_wait3A_86 = tpu.memref_slice %arg4[%dma_wait3A_84, %dma_wait3A_85] : memref<10000x128xf32, #tpu.memory_space<hbm>> -> memref<80x128xf32, #tpu.memory_space<hbm>>
    %dma_wait3A_87 = arith.constant 0 : i32
    %dma_wait3A_88 = arith.constant 0 : i32
    %dma_wait3A_89 = tpu.memref_slice %arg4[%dma_wait3A_87, %dma_wait3A_88] : memref<10000x128xf32, #tpu.memory_space<hbm>> -> memref<80x128xf32, #tpu.memory_space<hbm>>
    tpu.wait_dma2 semaphore(%arg20 : memref<!tpu.dma_semaphore, #tpu.memory_space<semaphore_mem>>) src(%dma_wait3A_89 : memref<80x128xf32, #tpu.memory_space<hbm>>) dst(%arg13 : memref<80x128xf32, #tpu.memory_space<vmem>>)
    %barrier3A_90 = arith.constant 0 : index
    tpu.barrier barrier_id(%barrier3A_90)
    %mul3A_91 = arith.constant 640 : i32
    %mul3A_92 = arith.muli %arg1, %mul3A_91 : i32
    %mul3A_93 = arith.constant 10240 : i32
    %mul3A_94 = arith.muli %arg0, %mul3A_93 : i32
    %mul3A_95 = arith.constant 640 : i32
    %mul3A_96 = arith.muli %arg1, %mul3A_95 : i32
    %add3A_97 = arith.addi %mul3A_94, %mul3A_96 : i32
    "tpu.region"() ({
      %run_scoped3A = tpu.sem_alloc : memref<!tpu.dma_semaphore, #tpu.memory_space<semaphore_mem>>
      %dma_start3A_98 = arith.constant 0 : i32
      %dma_start3A_99 = tpu.memref_slice %arg6[%add3A_97, %dma_start3A_98] : memref<20480x128xf32, #tpu.memory_space<hbm>> -> memref<640x128xf32, #tpu.memory_space<hbm>>
      %dma_start3A_100 = arith.constant 0 : i32
      %dma_start3A_101 = tpu.memref_slice %arg14[%mul3A_92, %dma_start3A_100] : memref<10240x128xf32, #tpu.memory_space<vmem_shared>> -> memref<640x128xf32, #tpu.memory_space<vmem_shared>>
      tpu.enqueue_dma source(%dma_start3A_101 : memref<640x128xf32, #tpu.memory_space<vmem_shared>>) target(%dma_start3A_99 : memref<640x128xf32, #tpu.memory_space<hbm>>) target_semaphore(%run_scoped3A : memref<!tpu.dma_semaphore, #tpu.memory_space<semaphore_mem>>)
      %dma_wait3A_102 = arith.constant 0 : i32
      %dma_wait3A_103 = tpu.memref_slice %arg6[%add3A_97, %dma_wait3A_102] : memref<20480x128xf32, #tpu.memory_space<hbm>> -> memref<640x128xf32, #tpu.memory_space<hbm>>
      %dma_wait3A_104 = arith.constant 0 : i32
      %dma_wait3A_105 = tpu.memref_slice %arg14[%mul3A_92, %dma_wait3A_104] : memref<10240x128xf32, #tpu.memory_space<vmem_shared>> -> memref<640x128xf32, #tpu.memory_space<vmem_shared>>
      tpu.wait_dma2 semaphore(%run_scoped3A : memref<!tpu.dma_semaphore, #tpu.memory_space<semaphore_mem>>) src(%dma_wait3A_105 : memref<640x128xf32, #tpu.memory_space<vmem_shared>>) dst(%dma_wait3A_103 : memref<640x128xf32, #tpu.memory_space<hbm>>)
      tpu.yield
    }) : () -> ()
    return
  }
}

module attributes {stable_mosaic.version = 14 : i64} {
  func.func @body(%arg0: memref<10000x128xf32, #tpu.memory_space<vmem>>, %arg1: memref<128x128xf32, #tpu.memory_space<vmem>>, %arg2: memref<2x10000xf32, #tpu.memory_space<vmem>>, %arg3: memref<10000x128xf32, #tpu.memory_space<vmem>>, %arg4: memref<1x10000xf32, #tpu.memory_space<vmem>>) attributes {dimension_semantics = [], scalar_prefetch = 0 : i64, scratch_operands = 0 : i64, tpu.core_type = #tpu.core_type<tc>} {
    %get3A = arith.constant 0 : index
    %get3A_0 = arith.constant 0 : index
    %get3A_1 = vector.load %arg2[%get3A, %get3A_0] : memref<2x10000xf32, #tpu.memory_space<vmem>>, vector<1x10000xf32>
    %get3A_2 = arith.constant 1 : index
    %get3A_3 = arith.constant 0 : index
    %get3A_4 = vector.load %arg2[%get3A_2, %get3A_3] : memref<2x10000xf32, #tpu.memory_space<vmem>>, vector<1x10000xf32>
    %add3A = arith.addf %get3A_1, %get3A_4 : vector<1x10000xf32>
    %add3A_5 = arith.constant 1.000000e+00 : f32
    %add3A_6 = vector.broadcast %add3A_5 : f32 to vector<1x10000xf32>
    %add3A_7 = arith.addf %add3A, %add3A_6 : vector<1x10000xf32>
    %rsqrt3A = math.rsqrt %add3A_7 : vector<1x10000xf32>
    %transpose3A = tpu.transpose %rsqrt3A, [1, 0] : vector<1x10000xf32> -> vector<10000x1xf32>
    %get3A_8 = arith.constant 0 : index
    %get3A_9 = arith.constant 0 : index
    %get3A_10 = vector.load %arg0[%get3A_8, %get3A_9] : memref<10000x128xf32, #tpu.memory_space<vmem>>, vector<10000x128xf32>
    %get3A_11 = arith.constant 0 : index
    %get3A_12 = arith.constant 0 : index
    %get3A_13 = vector.load %arg1[%get3A_11, %get3A_12] : memref<128x128xf32, #tpu.memory_space<vmem>>, vector<128x128xf32>
    %dot_general3A = arith.constant dense<0.000000e+00> : vector<10000x128xf32>
    %dot_general3A_14 = tpu.matmul %get3A_10, %get3A_13, %dot_general3A {dimension_numbers = #tpu.dot_dimension_numbers<[1], [0], [0], [1], [0, 0, 1, 1], [], []>, transpose_lhs_hint = false} : vector<10000x128xf32>, vector<128x128xf32>, vector<10000x128xf32> -> vector<10000x128xf32>
    %mul3A = vector.broadcast %transpose3A : vector<10000x1xf32> to vector<10000x128xf32>
    %mul3A_15 = arith.mulf %dot_general3A_14, %mul3A : vector<10000x128xf32>
    %swap3A = arith.constant 0 : index
    %swap3A_16 = arith.constant 0 : index
    %swap3A_17 = vector.load %arg3[%swap3A, %swap3A_16] : memref<10000x128xf32, #tpu.memory_space<vmem>>, vector<10000x128xf32>
    tpu.vector_store %arg3[%swap3A, %swap3A_16], %mul3A_15 {strides = array<i32>} : memref<10000x128xf32, #tpu.memory_space<vmem>>, vector<10000x128xf32>,
    %swap3A_18 = arith.constant 0 : index
    %swap3A_19 = arith.constant 0 : index
    %swap3A_20 = vector.load %arg4[%swap3A_18, %swap3A_19] : memref<1x10000xf32, #tpu.memory_space<vmem>>, vector<1x10000xf32>
    tpu.vector_store %arg4[%swap3A_18, %swap3A_19], %rsqrt3A {strides = array<i32>} : memref<1x10000xf32, #tpu.memory_space<vmem>>, vector<1x10000xf32>,
    return
  }
}

module attributes {stable_mosaic.version = 14 : i64} {
  func.func @body(%arg0: memref<20480x128xf32, #tpu.memory_space<vmem>>, %arg1: memref<1x10000xf32, #tpu.memory_space<vmem>>, %arg2: memref<1x128xf32, #tpu.memory_space<vmem>>, %arg3: memref<1x128xf32, #tpu.memory_space<vmem>>, %arg4: memref<1x128xf32, #tpu.memory_space<vmem>>, %arg5: memref<128x128xf32, #tpu.memory_space<vmem>>, %arg6: memref<1x128xf32, #tpu.memory_space<vmem>>, %arg7: memref<128x128xf32, #tpu.memory_space<vmem>>, %arg8: memref<1x128xf32, #tpu.memory_space<vmem>>, %arg9: memref<1x128xf32, #tpu.memory_space<vmem>>) attributes {dimension_semantics = [], scalar_prefetch = 0 : i64, scratch_operands = 0 : i64, tpu.core_type = #tpu.core_type<tc>} {
    %get3A = arith.constant 0 : index
    %get3A_0 = arith.constant 0 : index
    %get3A_1 = vector.load %arg0[%get3A, %get3A_0] : memref<20480x128xf32, #tpu.memory_space<vmem>>, vector<10000x128xf32>
    %get3A_2 = arith.constant 10240 : index
    %get3A_3 = arith.constant 0 : index
    %get3A_4 = vector.load %arg0[%get3A_2, %get3A_3] : memref<20480x128xf32, #tpu.memory_space<vmem>>, vector<10000x128xf32>
    %add3A = arith.addf %get3A_1, %get3A_4 : vector<10000x128xf32>
    %get3A_5 = arith.constant 0 : index
    %get3A_6 = arith.constant 0 : index
    %get3A_7 = vector.load %arg1[%get3A_5, %get3A_6] : memref<1x10000xf32, #tpu.memory_space<vmem>>, vector<1x10000xf32>
    %transpose3A = tpu.transpose %get3A_7, [1, 0] : vector<1x10000xf32> -> vector<10000x1xf32>
    %mul3A = vector.broadcast %transpose3A : vector<10000x1xf32> to vector<10000x128xf32>
    %mul3A_8 = arith.mulf %mul3A, %add3A : vector<10000x128xf32>
    %get3A_9 = arith.constant 0 : index
    %get3A_10 = arith.constant 0 : index
    %get3A_11 = vector.load %arg2[%get3A_9, %get3A_10] : memref<1x128xf32, #tpu.memory_space<vmem>>, vector<1x128xf32>
    %add3A_12 = vector.broadcast %get3A_11 : vector<1x128xf32> to vector<10000x128xf32>
    %add3A_13 = arith.addf %mul3A_8, %add3A_12 : vector<10000x128xf32>
    %reduce_sum3A = arith.constant dense<0.000000e+00> : vector<128xf32>
    %reduce_sum3A_14 = vector.multi_reduction <add>, %add3A_13, %reduce_sum3A [0] : vector<10000x128xf32> to vector<128xf32>
    %broadcast_in_dim3A = vector.shape_cast %reduce_sum3A_14 : vector<128xf32> to vector<1x128xf32>
    %mul3A_15 = arith.constant 9.99999974E-5 : f32
    %mul3A_16 = vector.broadcast %mul3A_15 : f32 to vector<1x128xf32>
    %mul3A_17 = arith.mulf %broadcast_in_dim3A, %mul3A_16 : vector<1x128xf32>
    %sub3A = vector.broadcast %mul3A_17 : vector<1x128xf32> to vector<10000x128xf32>
    %sub3A_18 = arith.subf %add3A_13, %sub3A : vector<10000x128xf32>
    %mul3A_19 = arith.mulf %sub3A_18, %sub3A_18 : vector<10000x128xf32>
    %reduce_sum3A_20 = arith.constant dense<0.000000e+00> : vector<128xf32>
    %reduce_sum3A_21 = vector.multi_reduction <add>, %mul3A_19, %reduce_sum3A_20 [0] : vector<10000x128xf32> to vector<128xf32>
    %broadcast_in_dim3A_22 = vector.shape_cast %reduce_sum3A_21 : vector<128xf32> to vector<1x128xf32>
    %mul3A_23 = arith.constant 9.99999974E-5 : f32
    %mul3A_24 = vector.broadcast %mul3A_23 : f32 to vector<1x128xf32>
    %mul3A_25 = arith.mulf %broadcast_in_dim3A_22, %mul3A_24 : vector<1x128xf32>
    %slice3A = vector.extract_strided_slice %sub3A_18 {offsets = [0, 0], sizes = [1, 128], strides = [1, 1]} : vector<10000x128xf32> to vector<1x128xf32>
    %add3A_26 = arith.constant 9.99999974E-6 : f32
    %add3A_27 = vector.broadcast %add3A_26 : f32 to vector<1x128xf32>
    %add3A_28 = arith.addf %mul3A_25, %add3A_27 : vector<1x128xf32>
    %rsqrt3A = math.rsqrt %add3A_28 : vector<1x128xf32>
    %mul3A_29 = arith.mulf %slice3A, %rsqrt3A : vector<1x128xf32>
    %get3A_30 = arith.constant 0 : index
    %get3A_31 = arith.constant 0 : index
    %get3A_32 = vector.load %arg3[%get3A_30, %get3A_31] : memref<1x128xf32, #tpu.memory_space<vmem>>, vector<1x128xf32>
    %mul3A_33 = arith.mulf %mul3A_29, %get3A_32 : vector<1x128xf32>
    %get3A_34 = arith.constant 0 : index
    %get3A_35 = arith.constant 0 : index
    %get3A_36 = vector.load %arg4[%get3A_34, %get3A_35] : memref<1x128xf32, #tpu.memory_space<vmem>>, vector<1x128xf32>
    %add3A_37 = arith.addf %mul3A_33, %get3A_36 : vector<1x128xf32>
    %max3A = arith.constant 0.000000e+00 : f32
    %max3A_38 = vector.broadcast %max3A : f32 to vector<1x128xf32>
    %max3A_39 = arith.maximumf %add3A_37, %max3A_38 : vector<1x128xf32>
    %get3A_40 = arith.constant 0 : index
    %get3A_41 = arith.constant 0 : index
    %get3A_42 = vector.load %arg5[%get3A_40, %get3A_41] : memref<128x128xf32, #tpu.memory_space<vmem>>, vector<128x128xf32>
    %dot_general3A = arith.constant dense<0.000000e+00> : vector<1x128xf32>
    %dot_general3A_43 = tpu.matmul %max3A_39, %get3A_42, %dot_general3A {dimension_numbers = #tpu.dot_dimension_numbers<[1], [1], [0], [0], [0, 0, 1, 0], [], []>, transpose_lhs_hint = false} : vector<1x128xf32>, vector<128x128xf32>, vector<1x128xf32> -> vector<1x128xf32>
    %get3A_44 = arith.constant 0 : index
    %get3A_45 = arith.constant 0 : index
    %get3A_46 = vector.load %arg6[%get3A_44, %get3A_45] : memref<1x128xf32, #tpu.memory_space<vmem>>, vector<1x128xf32>
    %add3A_47 = arith.addf %dot_general3A_43, %get3A_46 : vector<1x128xf32>
    %swap3A = arith.constant 0 : index
    %swap3A_48 = arith.constant 0 : index
    %swap3A_49 = vector.load %arg9[%swap3A, %swap3A_48] : memref<1x128xf32, #tpu.memory_space<vmem>>, vector<1x128xf32>
    tpu.vector_store %arg9[%swap3A, %swap3A_48], %add3A_47 {strides = array<i32>} : memref<1x128xf32, #tpu.memory_space<vmem>>, vector<1x128xf32>,
    %get3A_50 = arith.constant 0 : index
    %get3A_51 = arith.constant 0 : index
    %get3A_52 = vector.load %arg7[%get3A_50, %get3A_51] : memref<128x128xf32, #tpu.memory_space<vmem>>, vector<128x128xf32>
    %dot_general3A_53 = arith.constant dense<0.000000e+00> : vector<1x128xf32>
    %dot_general3A_54 = tpu.matmul %add3A_47, %get3A_52, %dot_general3A_53 {dimension_numbers = #tpu.dot_dimension_numbers<[1], [1], [0], [0], [0, 0, 1, 0], [], []>, transpose_lhs_hint = false} : vector<1x128xf32>, vector<128x128xf32>, vector<1x128xf32> -> vector<1x128xf32>
    %swap3A_55 = arith.constant 0 : index
    %swap3A_56 = arith.constant 0 : index
    %swap3A_57 = vector.load %arg8[%swap3A_55, %swap3A_56] : memref<1x128xf32, #tpu.memory_space<vmem>>, vector<1x128xf32>
    tpu.vector_store %arg8[%swap3A_55, %swap3A_56], %dot_general3A_54 {strides = array<i32>} : memref<1x128xf32, #tpu.memory_space<vmem>>, vector<1x128xf32>,
    return
  }
}

</mosaic_0001>

<sc_bundles>
// kernel: kernel.6.cloned.1.call-start
scs
__scs_entry_jumppad:
0x0: {  	(pc) =	sbr.rel $0x88, $3  }
0x1: {  	(tag) =	ssettag $0x0;
	lr =	simm.s32 $0x1  }
0x2: {  	[smem:$0x3F98] =	sst lr;
	_ =	strace $0xD0000000  }
0x3: {  	_ = 	snop  }
0x4: {  	_ = 	snop  }
0x5: {  	_ = 	snop  }
0x6: {  	_ = 	snop  }
0x7: {  	_ = 	snop  }
__scs_overlays_trampoline_lowered:
0x8: {  	[smem:$0x3FA7] =	sst s0  }
0x9: {  	[smem:$0x3FA8] =	sst s1  }
0xa: {  	[smem:$0x3FA9] =	sst s2  }
0xb: {  	[smem:$0x3FAA] =	sst s3  }
0xc: {  	[smem:$0x3FAB] =	sst s4  }
0xd: {  	[smem:$0x3FAC] =	sst s5  }
0xe: {  	[smem:$0x3FAD] =	sst s6  }
0xf: {  	[smem:$0x3FAE] =	sst s7  }
0x10: {  	[smem:$0x3FAF] =	sst s8  }
0x11: {  	[smem:$0x3FB0] =	sst s9;
	s0 =	simm.s32 @!p0 $0x0  }
0x12: {  	s1 =	sld [smem:$0x3F96];
	s0 =	simm.s32 @p0 $0x1  }
0x13: {  	[smem:$0x3FB1] =	sst s0;
	s0 =	simm.s32 @!p1 $0x0  }
0x14: {  	s2 =	sld [smem:$0x3F95];
	s0 =	simm.s32 @p1 $0x1  }
0x15: {  	[smem:$0x3FB2] =	sst s0;
	s0 =	simm.s32 @!p2 $0x0  }
0x16: {  	s3 =	sld [smem:$0x3FDB];
	s0 =	simm.s32 @p2 $0x1  }
0x17: {  	s4 =	simm.s32 $0x1BF5;
	[smem:$0x3FB4] =	sst s0  }
0x18: {  	s0 =	sld [smem:$0x3F97];
	_ =	swait.ge [sflag:s4], $0x0  }
0x19: {  	s7 =	sld [smem:$0x3F98]  }
0x1a: {  	s8 =	sadd.s32 $0xFFFFE003, lr  }
0x1b: {  	s9 =	sadd.s32 $0xFFFFFEF7, lr;
	s5 =	simm.s32 $0xFFFFFFFF;
	p2 =	slt.u32 s8, $0xFFFFF086  }
0x1c: {  	p1 =	slt.u32 s9, $0xF7A;
	s5 =	simm.s32 @!p2 $0x0  }
0x1d: {  	s5 =	simm.s32 @p1 $0x1;
	p0 =	seq.s32 s7, s2  }
0x1e: {  	s7 =	smul.u32 @!p0 $0xF7A, s2;
	p2 =	seq.s32 @!p0 s5, $0x0  }
0x1f: {  	s9 =	smul.u32 $0xF7A, s1;
	s8 =	simm.s32 @!p0 $0x1BF5;
	p2 =	por !p2, p0  }
0x20: {  	[sflag:s8] =	ssyncset.s32 @!p0 $0xFFFFF086;
	s6 =	sadd.s32 @!p0 s3, s7;
	s7 =	simm.s32 @!p0 $0x108  }
0x21: {  	s3 =	sadd.s32 s3, s9;
	s6 =	sadd.s32 @!p0 $0x88, s6;
	s7 =	simm.s32 @p2 $0x1082  }
0x22: {  	[simem:s7], [sflag:s8] =	dma.local @!p0 [hbm:s6], $0xF7A  }
0x23: {  	s9 =	sor.u32 $0xD0000000, s2;
	s6 =	simm.s32 $0x108;
	_ =	swait.ge @!p0 [sflag:s8], $0x0  }
0x24: {  	s3 =	sadd.s32 $0x88, s3;
	s6 =	simm.s32 @!p1 $0x1082;
	[sflag:s4] =	ssyncset.s32 $0xFFFFF086  }
0x25: {  	[simem:s6], [sflag:s4] =	dma.local [hbm:s3], $0xF7A  }
0x26: {  	[smem:$0x3F98] =	sst s1;
	(tag) =	ssettag s2;
	_ =	strace s9  }
0x27: {  	s1 =	sld [smem:$0x3FA8]  }
0x28: {  	s2 =	sld [smem:$0x3FA9]  }
0x29: {  	s4 =	sld [smem:$0x3FAB]  }
0x2a: {  	p0 =	seq.s32 s5, $0x0;
	s5 =	sld [smem:$0x3FAC]  }
0x2b: {  	s6 =	sld [smem:$0x3FAD]  }
0x2c: {  	s7 =	sld [smem:$0x3FAE]  }
0x2d: {  	s3 =	simm.s32 $0x108;
	s8 =	sld [smem:$0x3FAF]  }
0x2e: {  	s3 =	simm.s32 @!p0 $0x1082;
	s9 =	sld [smem:$0x3FB0]  }
0x2f: {  	lr =	sadd.s32 s0, s3;
	s0 =	sld [smem:$0x3FA7]  }
0x30: {  	s3 =	sld [smem:$0x3FAA]  }
0x31: {  	[smem:$0x3FB3] =	sst s10  }
0x32: {  	s10 =	sld [smem:$0x3FB1];
	_ =	sdelay $0x3  }
0x33: {  	p0 =	seq.s32 s10, $0x1;
	s10 =	sld [smem:$0x3FB3];
	_ =	sdelay $0x3  }
0x34: {  	[smem:$0x3FB3] =	sst s10  }
0x35: {  	s10 =	sld [smem:$0x3FB2];
	_ =	sdelay $0x3  }
0x36: {  	p1 =	seq.s32 s10, $0x1;
	s10 =	sld [smem:$0x3FB3];
	_ =	sdelay $0x3  }
0x37: {  	[smem:$0x3FB3] =	sst s10  }
0x38: {  	s10 =	sld [smem:$0x3FB4]  }
0x39: {  	_ = 	snop;
	(pc) =	sbr.ind lr, $3  }
0x3a: {  	_ = 	snop  }
0x3b: {  	_ = 	snop  }
0x3c: {  	p2 =	seq.s32 s10, $0x1;
	s10 =	sld [smem:$0x3FB3]  }
0x3d: {  	_ =	shalt  }
0x3e: {  	_ =	shalt  }
0x3f: {  	_ =	shalt  }
0x40: {  	_ =	shalt  }
0x41: {  	_ =	shalt  }
0x42: {  	_ =	shalt  }
0x43: {  	_ =	shalt  }
0x44: {  	_ =	shalt  }
0x45: {  	_ =	shalt  }
0x46: {  	_ =	shalt  }
0x47: {  	_ =	shalt  }
0x48: {  	_ =	shalt  }
0x49: {  	_ =	shalt  }
0x4a: {  	_ =	shalt  }
0x4b: {  	_ =	shalt  }
0x4c: {  	_ =	shalt  }
0x4d: {  	_ =	shalt  }
0x4e: {  	_ =	shalt  }
0x4f: {  	_ =	shalt  }
0x50: {  	_ =	shalt  }
0x51: {  	_ =	shalt  }
0x52: {  	_ =	shalt  }
0x53: {  	_ =	shalt  }
0x54: {  	_ =	shalt  }
0x55: {  	_ =	shalt  }
0x56: {  	_ =	shalt  }
0x57: {  	_ =	shalt  }
0x58: {  	_ =	shalt  }
0x59: {  	_ =	shalt  }
0x5a: {  	_ =	shalt  }
0x5b: {  	_ =	shalt  }
0x5c: {  	_ =	shalt  }
0x5d: {  	_ =	shalt  }
0x5e: {  	_ =	shalt  }
0x5f: {  	_ =	shalt  }
0x60: {  	_ =	shalt  }
0x61: {  	_ =	shalt  }
0x62: {  	_ =	shalt  }
0x63: {  	_ =	shalt  }
0x64: {  	_ =	shalt  }
0x65: {  	_ =	shalt  }
0x66: {  	_ =	shalt  }
0x67: {  	_ =	shalt  }
0x68: {  	_ =	shalt  }
0x69: {  	_ =	shalt  }
0x6a: {  	_ =	shalt  }
0x6b: {  	_ =	shalt  }
0x6c: {  	_ =	shalt  }
0x6d: {  	_ =	shalt  }
0x6e: {  	_ =	shalt  }
0x6f: {  	_ =	shalt  }
0x70: {  	_ =	shalt  }
0x71: {  	_ =	shalt  }
0x72: {  	_ =	shalt  }
0x73: {  	_ =	shalt  }
0x74: {  	_ =	shalt  }
0x75: {  	_ =	shalt  }
0x76: {  	_ =	shalt  }
0x77: {  	_ =	shalt  }
0x78: {  	_ =	shalt  }
0x79: {  	_ =	shalt  }
0x7a: {  	_ =	shalt  }
0x7b: {  	_ =	shalt  }
0x7c: {  	_ =	shalt  }
0x7d: {  	_ =	shalt  }
0x7e: {  	_ =	shalt  }
0x7f: {  	_ =	shalt  }
0x80: {  	_ =	shalt  }
0x81: {  	_ =	shalt  }
0x82: {  	_ =	shalt  }
0x83: {  	_ =	shalt  }
0x84: {  	_ =	shalt  }
0x85: {  	_ =	shalt  }
0x86: {  	_ =	shalt  }
0x87: {  	_ =	shalt  }
.Lfunc_end0:
.L_simem_size_0:
called_computation_lowered:
.L_overlay_start_0:
0x88: {  	s2 =	sld [smem:$0x3FD9]  }
0x89: {  	s3 =	sld [smem:$0x3FFE];
	_ =	sdelay $0x1  }
0x8a: {  	s1 =	srdreg.scid  }
0x8b: {  	s0 =	sand.u32 $0x1, s1  }
0x8c: {  	s16 =	sshll.u32 s0, $0xA;
	s2 =	sadd.s32 s3, s2  }
0x8d: {  	s2 =	sadd.s32 s2, s16  }
0x8e: {  	[smem:$0x3FBF] =	sst s2  }
0x8f: {  	_ = 	snop  }
0x90: {  	(tm) =	ssettm $0x1  }
0x91: {  	s17 =	sld [smem:$0x3FFB];
	_ =	sdelay $0x3  }
0x92: {  	_ =	strace s17  }
0x93: {  	s2 =	sld [smem:$0x3FFC];
	_ =	sdelay $0x3  }
0x94: {  	_ =	strace s2  }
0x95: {  	s2 =	sld [smem:$0x3FFD];
	_ =	sdelay $0x3  }
0x96: {  	_ =	strace s2  }
0x97: {  	_ =	strace $0x8FFFFFFF  }
0x98: {  	s18 =	sld [smem:$0x3FDB];
	_ =	sdelay $0x1  }
0x99: {  	s19 =	simm.s32 $_scs_section_size  }
0x9a: {  	s4 =	simm.s32 $_size__tile_overlayer_lowered;
	s5 =	simm.s32 $_tile_overlayer_lowered  }
0x9b: {  	s22 =	simm.s32 $0x1BFF;
	s21 =	sshll.u32 s5, $0x1;
	s2 =	sadd.s32 s19, s18  }
0x9c: {  	s6 =	simm.s32 $0x0;
	s20 =	sshll.u32 s4, $0x1;
	s4 =	sadd.s32 s21, s2  }
0x9d: {  	[timem:s6], [sflag:s22] =	dma.local [hbm:s4], s20  }
0x9e: {  	_ =	swait.ge [sflag:s22], s20  }
0x9f: {  	s3 =	ssub.s32 $0x0, s20;
	[sflag:s22] =	ssyncset.done $0x0  }
0xa0: {  	[sflag:s22] =	ssyncadd.s32 s3;
	_ =	sdelay $0x1  }
0xa1: {  	s23 =	simm.s32 $0x1B8B  }
0xa2: {  	_ =	swait.ge [sflag:s23], $0x1  }
0xa3: {  	[sflag:s23] =	ssyncset.done $0x0  }
0xa4: {  	s25 =	simm.s32 $0x1B8E;
	s24 =	sld [smem:$0x3FFE];
	[sflag:s23] =	ssyncadd.s32 $0xFFFFFFFF  }
0xa5: {  	s26 =	simm.s32 $execute0_lowered;
	[smem:$0x3FD2] =	sst s25  }
0xa6: {  	s4 =	sshll.u32 s26, $0x1;
	_ =	strace $0x80000046;
	[dreg:$0x1] =	wrdreg $0xFFFFFFFF  }
0xa7: {  	s28 =	simm.s32 $_size_execute0_lowered;
	s2 =	sadd.s32 s2, s4;
	[dreg:$0x0] =	wrdreg $0x0  }
0xa8: {  	s4 =	sshll.u32 s28, $0x1;
	[dreg:$0x2] =	wrdreg s2  }
0xa9: {  	[dreg:$0x3] =	wrdreg s4  }
0xaa: {  	[dreg:$0x4] =	wrdreg $0xC0  }
0xab: {  	_ =	task [dreg:s6], $0x5FFFF  }
0xac: {  	[dreg:$0x1] =	wrdreg $0xFFFFFFFF  }
0xad: {  	[dreg:$0x0] =	wrdreg $0x60  }
0xae: {  	[dreg:$0x2] =	wrdreg s24  }
0xaf: {  	[dreg:$0x3] =	wrdreg $0x68000  }
0xb0: {  	[dreg:$0x4] =	wrdreg $0x9  }
0xb1: {  	_ =	task.clear_ibuf [dreg:s6], $0x5FFFF;
	_ =	strace $0x90000046  }
0xb2: {  	s29 =	simm.s32 $0x9;
	_ =	strace $0x80000048  }
0xb3: {  	_ =	swait.ge [sflag:s29], $0x1  }
0xb4: {  	[sflag:s29] =	ssyncadd.s32 $0xFFFFFFFF  }
0xb5: {  	_ =	strace $0x90000048  }
0xb6: {  	_ =	sfence  }
0xb7: {  	s30 =	sld [smem:$0x0];
	_ =	sdelay $0x2  }
0xb8: {  	s31 =	sshll.u32 s1, $0xD;
	s1 =	sshrl.u32 s1, $0x2  }
0xb9: {  	s3 =	sand.u32 $0x4000, s31;
	s1 =	sadd.s32 s1, s30  }
0xba: {  	s0 =	sor.u32 s3, s0;
	s1 =	sshll.u32 s1, $0x11  }
0xbb: {  	s0 =	sor.u32 s1, s0  }
0xbc: {  	s0 =	sadd.s32 $0x8F2B, s0  }
0xbd: {  	[sflag:s0] =	ssyncadd.remote.s32 $0x1  }
0xbe: {  	_ =	sfence.sel $0xFFFF  }
0xbf: {  	[dreg:$0x0] =	wrdreg $0xFFFFFFFF;
	(pc) =	sbr.abs _section_cstart, $3  }
0xc0: {  	[dreg:$0x1] =	wrdreg $0xFFFFFFFF  }
0xc1: {  	_ =	task.clear_ibuf [dreg:s6], $0x2FFFF;
	_ =	strace $0x9FFFFFFF  }
0xc2: {  	(tm) =	ssettm $0x7FFFFFFF  }
0xc3: {  	_ =	shalt  }
tec
execute0_lowered:
.L_overlay_start_1:
0x0: {  	(tag) =	ssettag $0x1  }
0x1: {  	s4 =	rddreg [dreg:$0x0]  }
0x2: {  	s1 =	rddreg [dreg:$0x1]  }
0x3: {  	s0 =	rddreg [dreg:$0x2];
	s2 =	simm.s32 $0x0;
	s7 =	stileid.u32  }
0x4: {  	s5 =	srdreg.scid;
	s11 =	simm.s32 $0x100;
	s12 =	simm.s32 $0x180  }
0x5: {  	s13 =	simm.s32 $0x200;
	s14 =	simm.s32 $0x280;
	s15 =	simm.s32 $0x300  }
0x6: {  	s16 =	simm.s32 $0x380;
	s17 =	simm.s32 $0x1;
	s18 =	simm.s32 $0x0  }
0x7: {  	[smem:$0x7FF] =	sst s2;
	s3 =	sshll.u32 s7, $0xB;
	s31 =	sand.u32 $0x1, s5  }
0x8: {  	p0 =	sne.s32 s7, $0x0;
	s7 =	simm.s32 $0x2;
	_ =	strace $0x80000047  }
0x9: {  	s6 =	sadd.s32 s3, s4;
	s5 =	smul.u32 $0x4E2, s31;
	s8 =	ssub.s32 $0x2, s31  }
0xa: {  	s9 =	sshll.u32 s31, $0xF;
	s3 =	sadd.s32 $0x25C00, s4;
	s10 =	sshrl.u32 s8, $0x1  }
0xb: {  	s6 =	sadd.s32 s9, s6;
	s9 =	simm.s32 $0x4000;
	s5 =	sadd.s32 s5, s4  }
0xc: {  	s8 =	ssub.s32 s8, s10;
	s4 =	sadd.s32 $0x15C00, s6;
	s10 =	simm.s32 $0x80  }
0xd: {  	v0 =	vimm.f32 $1.000000000e+00;
	s5 =	sadd.s32 $0x26200, s5;
	s6 =	smax.u32 s8, $0x1;
	s8 =	simm.s32 $0x50  }
.LBB2_1:
0xe: {  	[tilespmem:$0x4000] =	vst v0  }
0xf: {  	[tilespmem:$0x4010] =	vst v0  }
0x10: {  	[tilespmem:$0x4020] =	vst v0  }
0x11: {  	[tilespmem:$0x4030] =	vst v0  }
0x12: {  	[tilespmem:$0x4040] =	vst v0  }
0x13: {  	[tilespmem:s2], [sflag:$0x2] =	stream.linear.gather [hbm4b:s4+s2], $0x3E80, $0x38;
	[tilespmem:$0x6A78] =	vst v63  }
0x14: {  	_ =	swait.ge [sflag:s7], $0x3E80  }
0x15: {  	[sflag:s7] =	ssyncset.done $0x0  }
0x16: {  	s19 =	simm.s32 @!p0 $0x0;
	s20 =	simm.s32 @!p0 $0x4080;
	[sflag:s7] =	ssyncadd.s32 $0xFFFFC180  }
0x17: {  	[tilespmem:s20], [sflag:$0x2] =	stream.linear.gather @!p0 [hbm4b:s3+s19], $0x2780, $0x38;
	[tilespmem:$0x6A78] =	vst v63  }
0x18: {  	s19 =	simm.s32 @!p0 $0x2  }
0x19: {  	_ =	swait.ge @!p0 [sflag:s19], $0x2780  }
0x1a: {  	[sflag:s19] =	ssyncset.done @!p0 $0x0  }
0x1b: {  	[sflag:s19] =	ssyncadd.s32 @!p0 $0xFFFFD880  }
0x1c: {  	[spmem:s1] =	stream.linear.scatter @!p0 [tilespmem:s20], [sflag:$0x2], $0x2780, $0x38;
	[tilespmem:$0x6A78] =	vst v63  }
0x1d: {  	_ =	swait.ge @!p0 [sflag:s19], $0x2780  }
0x1e: {  	[sflag:s19] =	ssyncset.done @!p0 $0x0  }
0x1f: {  	[sflag:s19] =	ssyncadd.s32 @!p0 $0xFFFFD880  }
0x20: {  	[bflag:$0x0] =	sbarrier.arrive $0xFFFF  }
0x21: {  	[spmem:s1] =	stream.indirect.scatter.add.f32 [tilespmem:s9], [sflag:$0x1], $0x1, s2, s8, $0xb8;
	[tilespmem:$0x6A78] =	vst v63  }
0x22: {  	_ = 	snop  }
0x23: {  	[spmem:s1] =	stream.indirect.scatter.add.f32 [tilespmem:s9], [sflag:$0x1], $0x1, s10, s8, $0xb8;
	[tilespmem:$0x6A78] =	vst v63  }
0x24: {  	_ = 	snop  }
0x25: {  	[spmem:s1] =	stream.indirect.scatter.add.f32 [tilespmem:s9], [sflag:$0x1], $0x1, s11, s8, $0xb8;
	[tilespmem:$0x6A78] =	vst v63  }
0x26: {  	_ = 	snop  }
0x27: {  	[spmem:s1] =	stream.indirect.scatter.add.f32 [tilespmem:s9], [sflag:$0x1], $0x1, s12, s8, $0xb8;
	[tilespmem:$0x6A78] =	vst v63  }
0x28: {  	_ = 	snop  }
0x29: {  	[spmem:s1] =	stream.indirect.scatter.add.f32 [tilespmem:s9], [sflag:$0x1], $0x1, s13, s8, $0xb8;
	[tilespmem:$0x6A78] =	vst v63  }
0x2a: {  	_ = 	snop  }
0x2b: {  	[spmem:s1] =	stream.indirect.scatter.add.f32 [tilespmem:s9], [sflag:$0x1], $0x1, s14, s8, $0xb8;
	[tilespmem:$0x6A78] =	vst v63  }
0x2c: {  	_ = 	snop  }
0x2d: {  	[spmem:s1] =	stream.indirect.scatter.add.f32 [tilespmem:s9], [sflag:$0x1], $0x1, s15, s8, $0xb8;
	[tilespmem:$0x6A78] =	vst v63  }
0x2e: {  	_ = 	snop  }
0x2f: {  	[spmem:s1] =	stream.indirect.scatter.add.f32 [tilespmem:s9], [sflag:$0x1], $0x1, s16, s8, $0xb8;
	[tilespmem:$0x6A78] =	vst v63  }
0x30: {  	_ =	swait.ge [sflag:s17], $0x50  }
0x31: {  	[sflag:s17] =	ssyncset.done $0x0  }
0x32: {  	s20 =	simm.s32 $0x400;
	s19 =	simm.s32 $0x1200;
	[sflag:s17] =	ssyncadd.s32 $0xFFFFFFB0  }
.LBB2_2:
0x33: {  	[spmem:s1] =	stream.indirect.scatter.add.f32 [tilespmem:s9], [sflag:$0x1], $0x1, s20, s8, $0xb8;
	[tilespmem:$0x6A78] =	vst v63  }
0x34: {  	s20 =	smov.u32 s19;
	p1 =	sne.s32 s19, $0xF800  }
.Ltmp0:
0x35: {  	s19 =	sadd.s32 $0x200, s19;
	(pc) =	sbr.rel @p1 .LBB2_2-.Ltmp0, $4  }
0x36: {  	_ = 	snop  }
0x37: {  	_ =	swait.ge [sflag:s17], $0x50  }
0x38: {  	[sflag:s17] =	ssyncset.done $0x0  }
0x39: {  	s20 =	sshra.s32 s20, $0x2;
	[sflag:s17] =	ssyncadd.s32 $0xFFFFFFB0  }
0x3a: {  	[spmem:s1] =	stream.indirect.scatter.add.f32 [tilespmem:s9], [sflag:$0x1], $0x1, s20, s8, $0xb8;
	[tilespmem:$0x6A78] =	vst v63  }
0x3b: {  	_ =	swait.ge [sflag:s17], $0x50  }
0x3c: {  	[sflag:s17] =	ssyncset.done $0x0  }
0x3d: {  	[sflag:s17] =	ssyncadd.s32 $0xFFFFFFB0  }
0x3e: {  	_ =	swait.ge [sflag:s17], $0x50  }
0x3f: {  	[sflag:s17] =	ssyncset.done $0x0  }
0x40: {  	[sflag:s17] =	ssyncadd.s32 $0xFFFFFFB0  }
0x41: {  	_ =	swait.ge [sflag:s17], $0x50  }
0x42: {  	[sflag:s17] =	ssyncset.done $0x0  }
0x43: {  	[sflag:s17] =	ssyncadd.s32 $0xFFFFFFB0  }
0x44: {  	_ =	swait.ge [sflag:s17], $0x50  }
0x45: {  	[sflag:s17] =	ssyncset.done $0x0  }
0x46: {  	[sflag:s17] =	ssyncadd.s32 $0xFFFFFFB0  }
0x47: {  	_ =	swait.ge [sflag:s17], $0x50  }
0x48: {  	[sflag:s17] =	ssyncset.done $0x0  }
0x49: {  	[sflag:s17] =	ssyncadd.s32 $0xFFFFFFB0  }
0x4a: {  	_ =	swait.ge [sflag:s17], $0x50  }
0x4b: {  	[sflag:s17] =	ssyncset.done $0x0  }
0x4c: {  	[sflag:s17] =	ssyncadd.s32 $0xFFFFFFB0  }
0x4d: {  	_ =	swait.ge [sflag:s17], $0x50  }
0x4e: {  	[sflag:s17] =	ssyncset.done $0x0  }
0x4f: {  	[sflag:s17] =	ssyncadd.s32 $0xFFFFFFB0  }
0x50: {  	_ =	swait.ge [sflag:s17], $0x50  }
0x51: {  	[sflag:s17] =	ssyncset.done $0x0  }
0x52: {  	[sflag:s17] =	ssyncadd.s32 $0xFFFFFFB0  }
0x53: {  	s19 =	simm.s32 @!p0 $0x4080;
	s20 =	simm.s32 @!p0 $0x2;
	[bflag:$0x0] =	sbarrier.arrive $0xFFFF  }
0x54: {  	[tilespmem:s19], [sflag:$0x2] =	stream.linear.gather @!p0 [spmem:s1], $0x2780, $0x38;
	[tilespmem:$0x6A78] =	vst v63  }
0x55: {  	s18 =	sadd.s32 $0x1, s18;
	_ =	swait.ge @!p0 [sflag:s20], $0x2780  }
0x56: {  	p1 =	sne.s32 s18, s6;
	[sflag:s20] =	ssyncset.done @!p0 $0x0  }
.Ltmp1:
0x57: {  	s21 =	simm.s32 @!p0 $0x0;
	[sflag:s20] =	ssyncadd.s32 @!p0 $0xFFFFD880;
	(pc) =	sbr.rel @p1 .LBB2_1-.Ltmp1, $4  }
0x58: {  	[hbm4b:s5+s21] =	stream.linear.scatter @!p0 [tilespmem:s19], [sflag:$0x2], $0x2710, $0x38;
	[tilespmem:$0x6A78] =	vst v63  }
0x59: {  	_ =	swait.ge @!p0 [sflag:s20], $0x2710  }
0x5a: {  	[sflag:s20] =	ssyncset.done @!p0 $0x0  }
0x5b: {  	[sflag:s20] =	ssyncadd.s32 @!p0 $0xFFFFD8F0  }
0x5c: {  	_ =	sfence.sel $0x180000  }
0x5d: {  	[bflag:$0x0] =	sbarrier.arrive $0xFFFF  }
0x5e: {  	_ =	strace $0x90000047  }
0x5f: {  	s0 =	sadd.s32 @!p0 $0x100000, s0;
	[bflag:$0x2] =	sbarrier.arrive $0xFFFF  }
0x60: {  	[sflag:s0] =	ssyncadd.tile.s32 @!p0 $0x1;
	_ =	shalt  }
.Lfunc_end2:
_tile_overlayer_lowered:
.L_overlay_start_2:
0x61: {  	(tag) =	ssettag $0x2  }
0x62: {  	s0 =	rddreg [dreg:$0x0];
	s2 =	stileid.u32  }
0x63: {  	s1 =	rddreg [dreg:$0x1];
	p0 =	sne.s32 s2, $0x0  }
0x64: {  	s3 =	rddreg [dreg:$0x2];
	[bflag:$0x3] =	sbarrier.arrive $0xFFFF;
	s2 =	simm.s32 @!p0 $0x1C02  }
0x65: {  	[timem:s3], [sflag:s2] =	dma.local @!p0 [hbm:s0], s1  }
0x66: {  	s0 =	simm.s32 @!p0 $0x2  }
0x67: {  	_ =	swait.ge @!p0 [sflag:s0], s1  }
0x68: {  	s1 =	ssub.s32 @!p0 $0x0, s1;
	[sflag:s0] =	ssyncset.done @!p0 $0x0  }
0x69: {  	[sflag:s0] =	ssyncadd.s32 @!p0 s1  }
0x6a: {  	[bflag:$0x3] =	sbarrier.arrive $0xFFFF  }
0x6b: {  	_ =	shalt  }

// kernel: kernel.9.cloned.1.call-start
scs
__scs_entry_jumppad:
0x0: {  	(pc) =	sbr.rel $0x88, $3  }
0x1: {  	(tag) =	ssettag $0x0;
	lr =	simm.s32 $0x1  }
0x2: {  	[smem:$0x3F98] =	sst lr;
	_ =	strace $0xD0000000  }
0x3: {  	_ = 	snop  }
0x4: {  	_ = 	snop  }
0x5: {  	_ = 	snop  }
0x6: {  	_ = 	snop  }
0x7: {  	_ = 	snop  }
__scs_overlays_trampoline_lowered:
0x8: {  	[smem:$0x3FA7] =	sst s0  }
0x9: {  	[smem:$0x3FA8] =	sst s1  }
0xa: {  	[smem:$0x3FA9] =	sst s2  }
0xb: {  	[smem:$0x3FAA] =	sst s3  }
0xc: {  	[smem:$0x3FAB] =	sst s4  }
0xd: {  	[smem:$0x3FAC] =	sst s5  }
0xe: {  	[smem:$0x3FAD] =	sst s6  }
0xf: {  	[smem:$0x3FAE] =	sst s7  }
0x10: {  	[smem:$0x3FAF] =	sst s8  }
0x11: {  	[smem:$0x3FB0] =	sst s9;
	s0 =	simm.s32 @!p0 $0x0  }
0x12: {  	s1 =	sld [smem:$0x3F96];
	s0 =	simm.s32 @p0 $0x1  }
0x13: {  	[smem:$0x3FB1] =	sst s0;
	s0 =	simm.s32 @!p1 $0x0  }
0x14: {  	s2 =	sld [smem:$0x3F95];
	s0 =	simm.s32 @p1 $0x1  }
0x15: {  	[smem:$0x3FB2] =	sst s0;
	s0 =	simm.s32 @!p2 $0x0  }
0x16: {  	s3 =	sld [smem:$0x3FDB];
	s0 =	simm.s32 @p2 $0x1  }
0x17: {  	s4 =	simm.s32 $0x1BF5;
	[smem:$0x3FB4] =	sst s0  }
0x18: {  	s0 =	sld [smem:$0x3F97];
	_ =	swait.ge [sflag:s4], $0x0  }
0x19: {  	s7 =	sld [smem:$0x3F98]  }
0x1a: {  	s8 =	sadd.s32 $0xFFFFE003, lr  }
0x1b: {  	s9 =	sadd.s32 $0xFFFFFEF7, lr;
	s5 =	simm.s32 $0xFFFFFFFF;
	p2 =	slt.u32 s8, $0xFFFFF086  }
0x1c: {  	p1 =	slt.u32 s9, $0xF7A;
	s5 =	simm.s32 @!p2 $0x0  }
0x1d: {  	s5 =	simm.s32 @p1 $0x1;
	p0 =	seq.s32 s7, s2  }
0x1e: {  	s7 =	smul.u32 @!p0 $0xF7A, s2;
	p2 =	seq.s32 @!p0 s5, $0x0  }
0x1f: {  	s9 =	smul.u32 $0xF7A, s1;
	s8 =	simm.s32 @!p0 $0x1BF5;
	p2 =	por !p2, p0  }
0x20: {  	[sflag:s8] =	ssyncset.s32 @!p0 $0xFFFFF086;
	s6 =	sadd.s32 @!p0 s3, s7;
	s7 =	simm.s32 @!p0 $0x108  }
0x21: {  	s3 =	sadd.s32 s3, s9;
	s6 =	sadd.s32 @!p0 $0x88, s6;
	s7 =	simm.s32 @p2 $0x1082  }
0x22: {  	[simem:s7], [sflag:s8] =	dma.local @!p0 [hbm:s6], $0xF7A  }
0x23: {  	s9 =	sor.u32 $0xD0000000, s2;
	s6 =	simm.s32 $0x108;
	_ =	swait.ge @!p0 [sflag:s8], $0x0  }
0x24: {  	s3 =	sadd.s32 $0x88, s3;
	s6 =	simm.s32 @!p1 $0x1082;
	[sflag:s4] =	ssyncset.s32 $0xFFFFF086  }
0x25: {  	[simem:s6], [sflag:s4] =	dma.local [hbm:s3], $0xF7A  }
0x26: {  	[smem:$0x3F98] =	sst s1;
	(tag) =	ssettag s2;
	_ =	strace s9  }
0x27: {  	s1 =	sld [smem:$0x3FA8]  }
0x28: {  	s2 =	sld [smem:$0x3FA9]  }
0x29: {  	s4 =	sld [smem:$0x3FAB]  }
0x2a: {  	p0 =	seq.s32 s5, $0x0;
	s5 =	sld [smem:$0x3FAC]  }
0x2b: {  	s6 =	sld [smem:$0x3FAD]  }
0x2c: {  	s7 =	sld [smem:$0x3FAE]  }
0x2d: {  	s3 =	simm.s32 $0x108;
	s8 =	sld [smem:$0x3FAF]  }
0x2e: {  	s3 =	simm.s32 @!p0 $0x1082;
	s9 =	sld [smem:$0x3FB0]  }
0x2f: {  	lr =	sadd.s32 s0, s3;
	s0 =	sld [smem:$0x3FA7]  }
0x30: {  	s3 =	sld [smem:$0x3FAA]  }
0x31: {  	[smem:$0x3FB3] =	sst s10  }
0x32: {  	s10 =	sld [smem:$0x3FB1];
	_ =	sdelay $0x3  }
0x33: {  	p0 =	seq.s32 s10, $0x1;
	s10 =	sld [smem:$0x3FB3];
	_ =	sdelay $0x3  }
0x34: {  	[smem:$0x3FB3] =	sst s10  }
0x35: {  	s10 =	sld [smem:$0x3FB2];
	_ =	sdelay $0x3  }
0x36: {  	p1 =	seq.s32 s10, $0x1;
	s10 =	sld [smem:$0x3FB3];
	_ =	sdelay $0x3  }
0x37: {  	[smem:$0x3FB3] =	sst s10  }
0x38: {  	s10 =	sld [smem:$0x3FB4]  }
0x39: {  	_ = 	snop;
	(pc) =	sbr.ind lr, $3  }
0x3a: {  	_ = 	snop  }
0x3b: {  	_ = 	snop  }
0x3c: {  	p2 =	seq.s32 s10, $0x1;
	s10 =	sld [smem:$0x3FB3]  }
0x3d: {  	_ =	shalt  }
0x3e: {  	_ =	shalt  }
0x3f: {  	_ =	shalt  }
0x40: {  	_ =	shalt  }
0x41: {  	_ =	shalt  }
0x42: {  	_ =	shalt  }
0x43: {  	_ =	shalt  }
0x44: {  	_ =	shalt  }
0x45: {  	_ =	shalt  }
0x46: {  	_ =	shalt  }
0x47: {  	_ =	shalt  }
0x48: {  	_ =	shalt  }
0x49: {  	_ =	shalt  }
0x4a: {  	_ =	shalt  }
0x4b: {  	_ =	shalt  }
0x4c: {  	_ =	shalt  }
0x4d: {  	_ =	shalt  }
0x4e: {  	_ =	shalt  }
0x4f: {  	_ =	shalt  }
0x50: {  	_ =	shalt  }
0x51: {  	_ =	shalt  }
0x52: {  	_ =	shalt  }
0x53: {  	_ =	shalt  }
0x54: {  	_ =	shalt  }
0x55: {  	_ =	shalt  }
0x56: {  	_ =	shalt  }
0x57: {  	_ =	shalt  }
0x58: {  	_ =	shalt  }
0x59: {  	_ =	shalt  }
0x5a: {  	_ =	shalt  }
0x5b: {  	_ =	shalt  }
0x5c: {  	_ =	shalt  }
0x5d: {  	_ =	shalt  }
0x5e: {  	_ =	shalt  }
0x5f: {  	_ =	shalt  }
0x60: {  	_ =	shalt  }
0x61: {  	_ =	shalt  }
0x62: {  	_ =	shalt  }
0x63: {  	_ =	shalt  }
0x64: {  	_ =	shalt  }
0x65: {  	_ =	shalt  }
0x66: {  	_ =	shalt  }
0x67: {  	_ =	shalt  }
0x68: {  	_ =	shalt  }
0x69: {  	_ =	shalt  }
0x6a: {  	_ =	shalt  }
0x6b: {  	_ =	shalt  }
0x6c: {  	_ =	shalt  }
0x6d: {  	_ =	shalt  }
0x6e: {  	_ =	shalt  }
0x6f: {  	_ =	shalt  }
0x70: {  	_ =	shalt  }
0x71: {  	_ =	shalt  }
0x72: {  	_ =	shalt  }
0x73: {  	_ =	shalt  }
0x74: {  	_ =	shalt  }
0x75: {  	_ =	shalt  }
0x76: {  	_ =	shalt  }
0x77: {  	_ =	shalt  }
0x78: {  	_ =	shalt  }
0x79: {  	_ =	shalt  }
0x7a: {  	_ =	shalt  }
0x7b: {  	_ =	shalt  }
0x7c: {  	_ =	shalt  }
0x7d: {  	_ =	shalt  }
0x7e: {  	_ =	shalt  }
0x7f: {  	_ =	shalt  }
0x80: {  	_ =	shalt  }
0x81: {  	_ =	shalt  }
0x82: {  	_ =	shalt  }
0x83: {  	_ =	shalt  }
0x84: {  	_ =	shalt  }
0x85: {  	_ =	shalt  }
0x86: {  	_ =	shalt  }
0x87: {  	_ =	shalt  }
.Lfunc_end0:
.L_simem_size_0:
called_computation.1_lowered:
.L_overlay_start_0:
0x88: {  	s2 =	sld [smem:$0x3FD9]  }
0x89: {  	s3 =	sld [smem:$0x3FFE];
	_ =	sdelay $0x1  }
0x8a: {  	s1 =	srdreg.scid  }
0x8b: {  	s0 =	sand.u32 $0x1, s1  }
0x8c: {  	s16 =	sshll.u32 s0, $0xA;
	s2 =	sadd.s32 s3, s2  }
0x8d: {  	s2 =	sadd.s32 s2, s16  }
0x8e: {  	[smem:$0x3FBF] =	sst s2  }
0x8f: {  	_ = 	snop  }
0x90: {  	(tm) =	ssettm $0x1  }
0x91: {  	s17 =	sld [smem:$0x3FFB];
	_ =	sdelay $0x3  }
0x92: {  	_ =	strace s17  }
0x93: {  	s2 =	sld [smem:$0x3FFC];
	_ =	sdelay $0x3  }
0x94: {  	_ =	strace s2  }
0x95: {  	s2 =	sld [smem:$0x3FFD];
	_ =	sdelay $0x3  }
0x96: {  	_ =	strace s2  }
0x97: {  	_ =	strace $0x8FFFFFFF  }
0x98: {  	s18 =	sld [smem:$0x3FDB];
	_ =	sdelay $0x1  }
0x99: {  	s19 =	simm.s32 $_scs_section_size  }
0x9a: {  	s4 =	simm.s32 $_size__tile_overlayer_lowered;
	s5 =	simm.s32 $_tile_overlayer_lowered  }
0x9b: {  	s22 =	simm.s32 $0x1BFF;
	s21 =	sshll.u32 s5, $0x1;
	s2 =	sadd.s32 s19, s18  }
0x9c: {  	s6 =	simm.s32 $0x0;
	s20 =	sshll.u32 s4, $0x1;
	s4 =	sadd.s32 s21, s2  }
0x9d: {  	[timem:s6], [sflag:s22] =	dma.local [hbm:s4], s20  }
0x9e: {  	_ =	swait.ge [sflag:s22], s20  }
0x9f: {  	s3 =	ssub.s32 $0x0, s20;
	[sflag:s22] =	ssyncset.done $0x0  }
0xa0: {  	[sflag:s22] =	ssyncadd.s32 s3;
	_ =	sdelay $0x1  }
0xa1: {  	s23 =	simm.s32 $0x1B8B  }
0xa2: {  	_ =	swait.ge [sflag:s23], $0x1  }
0xa3: {  	[sflag:s23] =	ssyncset.done $0x0  }
0xa4: {  	s25 =	simm.s32 $0x1B8E;
	s24 =	sld [smem:$0x3FFE];
	[sflag:s23] =	ssyncadd.s32 $0xFFFFFFFF  }
0xa5: {  	s26 =	simm.s32 $execute0_lowered;
	[smem:$0x3FD2] =	sst s25  }
0xa6: {  	s4 =	sshll.u32 s26, $0x1;
	_ =	strace $0x80000049;
	[dreg:$0x1] =	wrdreg $0xFFFFFFFF  }
0xa7: {  	s28 =	simm.s32 $_size_execute0_lowered;
	s2 =	sadd.s32 s2, s4;
	[dreg:$0x0] =	wrdreg $0x0  }
0xa8: {  	s4 =	sshll.u32 s28, $0x1;
	[dreg:$0x2] =	wrdreg s2  }
0xa9: {  	[dreg:$0x3] =	wrdreg s4  }
0xaa: {  	[dreg:$0x4] =	wrdreg $0xC0  }
0xab: {  	_ =	task [dreg:s6], $0x5FFFF  }
0xac: {  	[dreg:$0x1] =	wrdreg $0xFFFFFFFF  }
0xad: {  	[dreg:$0x0] =	wrdreg $0x60  }
0xae: {  	[dreg:$0x2] =	wrdreg s24  }
0xaf: {  	[dreg:$0x3] =	wrdreg $0xA1000  }
0xb0: {  	[dreg:$0x4] =	wrdreg $0x9  }
0xb1: {  	_ =	task.clear_ibuf [dreg:s6], $0x5FFFF;
	_ =	strace $0x90000049  }
0xb2: {  	s29 =	simm.s32 $0x9;
	_ =	strace $0x8000004B  }
0xb3: {  	_ =	swait.ge [sflag:s29], $0x1  }
0xb4: {  	[sflag:s29] =	ssyncadd.s32 $0xFFFFFFFF  }
0xb5: {  	_ =	strace $0x9000004B  }
0xb6: {  	_ =	sfence  }
0xb7: {  	s30 =	sld [smem:$0x0];
	_ =	sdelay $0x2  }
0xb8: {  	s31 =	sshll.u32 s1, $0xD;
	s1 =	sshrl.u32 s1, $0x2  }
0xb9: {  	s3 =	sand.u32 $0x4000, s31;
	s1 =	sadd.s32 s1, s30  }
0xba: {  	s0 =	sor.u32 s3, s0;
	s1 =	sshll.u32 s1, $0x11  }
0xbb: {  	s0 =	sor.u32 s1, s0  }
0xbc: {  	s0 =	sadd.s32 $0x8F2B, s0  }
0xbd: {  	[sflag:s0] =	ssyncadd.remote.s32 $0x1  }
0xbe: {  	_ =	sfence.sel $0xFFFF  }
0xbf: {  	[dreg:$0x0] =	wrdreg $0xFFFFFFFF;
	(pc) =	sbr.abs _section_cstart, $3  }
0xc0: {  	[dreg:$0x1] =	wrdreg $0xFFFFFFFF  }
0xc1: {  	_ =	task.clear_ibuf [dreg:s6], $0x2FFFF;
	_ =	strace $0x9FFFFFFF  }
0xc2: {  	(tm) =	ssettm $0x7FFFFFFF  }
0xc3: {  	_ =	shalt  }
tec
execute0_lowered:
.L_overlay_start_1:
0x0: {  	(tag) =	ssettag $0x1  }
0x1: {  	s0 =	srdreg.scid;
	s30 =	rddreg [dreg:$0x0]  }
0x2: {  	s18 =	stileid.u32;
	s2 =	rddreg [dreg:$0x1];
	s28 =	simm.s32 $0x1  }
0x3: {  	s29 =	simm.s32 $0x2;
	s1 =	sand.u32 $0x1, s0;
	s9 =	smul.u32 $0x2800, s18  }
0x4: {  	s5 =	sadd.s32 $0x15C00, s30;
	s12 =	smul.u32 $0x50000, s18;
	s6 =	sadd.s32 $0x3CE00, s30  }
0x5: {  	p1 =	sne.s32 s18, $0xF;
	p2 =	seq.s32 s18, $0xF;
	s15 =	sadd.s32 $0x12C000, s2  }
0x6: {  	s0 =	sadd.s32 $0x3B400, s30;
	s16 =	sadd.s32 $0x138800, s2;
	s17 =	smul.u32 $0x2710, s18  }
0x7: {  	s3 =	sshll.u32 s1, $0x4;
	s7 =	smul.u32 $0x28000, s1;
	s10 =	ssub.s32 $0x2, s1  }
0x8: {  	p0 =	seq.s32 s1, $0x1;
	s4 =	sor.u32 s18, s3;
	s3 =	simm.s32 $0x0  }
0x9: {  	s13 =	sshrl.u32 s10, $0x1;
	s31 =	sshrl.u32 s12, $0x2;
	p1 =	por !p1, !p0  }
0xa: {  	p2 =	por !p2, !p0;
	s4 =	smul.u32 $0x2710, s4;
	[smem:$0x7FF] =	sst s3  }
0xb: {  	s7 =	sadd.s32 s9, s7;
	s13 =	ssub.s32 s10, s13;
	p0 =	por !p1, !p1  }
0xc: {  	p2 =	por !p2, !p2;
	s10 =	smul.u32 $0x27100, s1;
	s9 =	sadd.s32 s5, s9  }
0xd: {  	p1 =	sne.s32 s1, $0x0;
	_ =	strace $0x8000004A;
	[dreg:$0x6] =	wrdreg s0  }
0xe: {  	s14 =	sadd.s32 s7, s30;
	s7 =	sadd.s32 s31, s2;
	[dreg:$0x7] =	wrdreg s9  }
0xf: {  	s1 =	sshll.u32 @!p1 s18, $0x6;
	p2 =	por !p2, p0;
	s8 =	sshrl.u32 s4, $0x3  }
0x10: {  	s4 =	sadd.s32 $0xBE00, s30;
	s0 =	sadd.s32 s17, s10;
	s25 =	sadd.s32 $0x3F600, s14  }
0x11: {  	s1 =	sor.u32 @!p1 $0x1C07, s1;
	s11 =	sadd.s32 s8, s30;
	[dreg:$0xb] =	wrdreg s25  }
0x12: {  	s12 =	sadd.s32 s4, s8;
	s24 =	sadd.s32 $0x140, s0;
	[dreg:$0xd] =	wrdreg s1  }
0x13: {  	s30 =	smax.u32 s13, $0x1;
	s31 =	sadd.s32 $0xA0, s0;
	[dreg:$0x8] =	wrdreg s12  }
0x14: {  	s0 =	sadd.s32 $0xF0, s0;
	s1 =	sshrl.u32 @!p2 s15, $0x3;
	[dreg:$0xc] =	wrdreg s30  }
0x15: {  	s13 =	simm.s32 $0x2800;
	s19 =	sadd.s32 $0x2000, s11;
	[dreg:$0xe] =	wrdreg s1  }
0x16: {  	s20 =	sadd.s32 $0xA, s12;
	s21 =	sadd.s32 $0x14, s12;
	[dreg:$0x9] =	wrdreg s19  }
0x17: {  	s22 =	sadd.s32 $0x1E, s12;
	s23 =	sadd.s32 $0x28, s12;
	[dreg:$0xa] =	wrdreg s20  }
0x18: {  	s26 =	sshrl.u32 s24, $0x3;
	s8 =	sshrl.u32 s31, $0x3;
	[dreg:$0x3] =	wrdreg s21  }
0x19: {  	s1 =	sshrl.u32 @!p2 s16, $0x3;
	s24 =	simm.s32 $0x2900;
	[dreg:$0x4] =	wrdreg s22  }
0x1a: {  	[dreg:$0x5] =	wrdreg s23;
	s12 =	sadd.s32 s26, s4;
	s17 =	sadd.s32 s8, s4  }
0x1b: {  	[dreg:$0xf] =	wrdreg s1;
	s21 =	simm.s32 $0x7;
	s22 =	simm.s32 $0x2780  }
0x1c: {  	s23 =	simm.s32 $0x50;
	s26 =	simm.s32 $0x5100;
	s8 =	simm.s32 $0x0  }
.LBB2_1:
0x1d: {  	s9 =	sshrl.u32 @!p1 s7, $0x3;
	s1 =	rddreg [dreg:$0xd]  }
0x1e: {  	[spmem:s9], [sflag:s1] =	dma.local @!p1 [hbm:s6], $0x2800  }
0x1f: {  	s9 =	simm.s32 @!p1 $0x7  }
0x20: {  	_ =	swait.ge @!p1 [sflag:s9], $0x2800  }
0x21: {  	s11 =	simm.s32 @!p2 $0x7;
	[sflag:s9] =	ssyncset.done @!p1 $0x0;
	s1 =	rddreg [dreg:$0x6]  }
0x22: {  	s10 =	rddreg [dreg:$0xe];
	[sflag:s9] =	ssyncadd.s32 @!p1 $0xFFFFD800;
	s9 =	simm.s32 @!p2 $0x1FC7  }
0x23: {  	[spmem:s10], [sflag:s9] =	dma.local @!p2 [hbm:s1], $0x1900  }
0x24: {  	_ =	swait.ge @!p2 [sflag:s11], $0x1900  }
0x25: {  	[sflag:s11] =	ssyncset.done @!p2 $0x0  }
0x26: {  	s1 =	rddreg [dreg:$0xf];
	[sflag:s11] =	ssyncadd.s32 @!p2 $0xFFFFE700  }
0x27: {  	[spmem:s1], [sflag:s9] =	dma.local @!p2 [hbm:s6], $0xF00  }
0x28: {  	s9 =	sshll.u32 @p0 s18, $0x6;
	_ =	swait.ge @!p2 [sflag:s11], $0xF00  }
0x29: {  	s9 =	sor.u32 @p0 $0x1C07, s9;
	[sflag:s11] =	ssyncset.done @!p2 $0x0  }
0x2a: {  	s1 =	rddreg [dreg:$0x7];
	[sflag:s11] =	ssyncadd.s32 @!p2 $0xFFFFF100;
	s11 =	sshrl.u32 @p0 s7, $0x3  }
0x2b: {  	[spmem:s11], [sflag:s9] =	dma.local @p0 [hbm:s1], $0x2800  }
0x2c: {  	s9 =	simm.s32 @p0 $0x7  }
0x2d: {  	_ =	swait.ge @p0 [sflag:s9], $0x2800  }
0x2e: {  	[sflag:s9] =	ssyncset.done @p0 $0x0  }
0x2f: {  	s25 =	rddreg [dreg:$0x9];
	[sflag:s9] =	ssyncadd.s32 @p0 $0xFFFFD800  }
0x30: {  	[tilespmem:s3], [sflag:$0x7] =	stream.linear.gather [hbm4b:s25+s3], $0x2710, $0x38;
	[tilespmem:$0x1E100] =	vst v63  }
0x31: {  	_ =	swait.ge [sflag:s21], $0x2710  }
0x32: {  	[sflag:s21] =	ssyncset.done $0x0  }
0x33: {  	s30 =	rddreg [dreg:$0x8];
	[sflag:s21] =	ssyncadd.s32 $0xFFFFD8F0  }
0x34: {  	[tilespmem:s22], [sflag:$0x1] =	stream.linear.gather [hbm4b:s30+s3], $0x50, $0x38;
	[tilespmem:$0x1E100] =	vst v63  }
0x35: {  	_ = 	snop  }
0x36: {  	[tilespmem:s24], [sflag:$0x1] =	stream.indirect.gather [hbm4b:s5+s23], $0x80, s3, s23, $0xb8;
	[tilespmem:$0x1E100] =	vst v63  }
0x37: {  	s31 =	rddreg [dreg:$0xa]  }
0x38: {  	[tilespmem:s13], [sflag:$0x2] =	stream.linear.gather [hbm4b:s31+s3], $0x50, $0x38;
	[tilespmem:$0x1E100] =	vst v63  }
0x39: {  	_ = 	snop  }
0x3a: {  	[tilespmem:s26], [sflag:$0x2] =	stream.indirect.gather [hbm4b:s5+s23], $0x80, s23, s23, $0xb8;
	[tilespmem:$0x1E100] =	vst v63  }
0x3b: {  	[bflag:$0x0] =	sbarrier.arrive $0xFFFF  }
0x3c: {  	_ =	swait.ge [sflag:s28], $0x50  }
0x3d: {  	[sflag:s28] =	ssyncset.done $0x0  }
0x3e: {  	[sflag:s28] =	ssyncadd.s32 $0xFFFFFFB0  }
0x3f: {  	_ =	swait.ge [sflag:s28], $0x2800  }
0x40: {  	p3 =	por $0x0, $0x0;
	[sflag:s28] =	ssyncset.done $0x0  }
0x41: {  	s9 =	simm.s32 @p3 $0x6;
	[sflag:s28] =	ssyncadd.s32 $0xFFFFD800  }
0x42: {  	[spmem:s2] =	stream.indirect.scatter.add.f32 [tilespmem:s24], [sflag:$0x4], $0x80, s22, s23, $0xb8;
	[tilespmem:$0x1E100] =	vst v63  }
0x43: {  	_ =	swait.ge @p3 [sflag:s9], $0x2800  }
0x44: {  	s14 =	simm.s32 @p3 $0x2880;
	[sflag:s9] =	ssyncset.done @p3 $0x0  }
0x45: {  	s15 =	simm.s32 @p3 $0x7900;
	s13 =	simm.s32 @p3 $0x0;
	[sflag:s9] =	ssyncadd.s32 @p3 $0xFFFFD800  }
0x46: {  	[tilespmem:s14], [sflag:$0x3] =	stream.linear.gather @p3 [hbm4b:s17+s13], $0x50, $0x38;
	[tilespmem:$0x1E100] =	vst v63  }
0x47: {  	s16 =	simm.s32 @p3 $0x2;
	s11 =	simm.s32 @p3 $0xA0;
	s9 =	simm.s32 @p3 $0x50  }
0x48: {  	[tilespmem:s15], [sflag:$0x3] =	stream.indirect.gather @p3 [hbm4b:s5+s9], $0x80, s11, s9, $0xb8;
	[tilespmem:$0x1E100] =	vst v63  }
0x49: {  	_ =	swait.ge @p3 [sflag:s16], $0x50  }
0x4a: {  	[sflag:s16] =	ssyncset.done @p3 $0x0  }
0x4b: {  	[sflag:s16] =	ssyncadd.s32 @p3 $0xFFFFFFB0  }
0x4c: {  	_ =	swait.ge @p3 [sflag:s16], $0x2800  }
0x4d: {  	s18 =	simm.s32 @p3 $0x5100;
	[sflag:s16] =	ssyncset.done @p3 $0x0  }
0x4e: {  	s11 =	simm.s32 @p3 $0x2800;
	[sflag:s16] =	ssyncadd.s32 @p3 $0xFFFFD800;
	s16 =	simm.s32 @p3 $0x4  }
0x4f: {  	[spmem:s2] =	stream.indirect.scatter.add.f32 @p3 [tilespmem:s18], [sflag:$0x5], $0x80, s11, s9, $0xb8;
	[tilespmem:$0x1E100] =	vst v63  }
0x50: {  	_ =	swait.ge @p3 [sflag:s16], $0x2800  }
0x51: {  	s18 =	sshrl.u32 @p3 s0, $0x3;
	[sflag:s16] =	ssyncset.done @p3 $0x0  }
0x52: {  	s18 =	sadd.s32 @p3 s4, s18;
	[sflag:s16] =	ssyncadd.s32 @p3 $0xFFFFD800;
	s16 =	simm.s32 @p3 $0x2780  }
0x53: {  	[tilespmem:s16], [sflag:$0x1] =	stream.linear.gather @p3 [hbm4b:s18+s13], $0x50, $0x38;
	[tilespmem:$0x1E100] =	vst v63  }
0x54: {  	s16 =	simm.s32 @p3 $0xF0;
	s18 =	simm.s32 @p3 $0x2900  }
0x55: {  	[tilespmem:s18], [sflag:$0x1] =	stream.indirect.gather @p3 [hbm4b:s5+s9], $0x80, s16, s9, $0xb8;
	[tilespmem:$0x1E100] =	vst v63  }
0x56: {  	s16 =	simm.s32 @p3 $0x3  }
0x57: {  	_ =	swait.ge @p3 [sflag:s16], $0x50  }
0x58: {  	[sflag:s16] =	ssyncset.done @p3 $0x0  }
0x59: {  	[sflag:s16] =	ssyncadd.s32 @p3 $0xFFFFFFB0  }
0x5a: {  	_ =	swait.ge @p3 [sflag:s16], $0x2800  }
0x5b: {  	[sflag:s16] =	ssyncset.done @p3 $0x0  }
0x5c: {  	[sflag:s16] =	ssyncadd.s32 @p3 $0xFFFFD800;
	s16 =	simm.s32 @p3 $0x5  }
0x5d: {  	[spmem:s2] =	stream.indirect.scatter.add.f32 @p3 [tilespmem:s15], [sflag:$0x6], $0x80, s14, s9, $0xb8;
	[tilespmem:$0x1E100] =	vst v63  }
0x5e: {  	_ =	swait.ge @p3 [sflag:s16], $0x2800  }
0x5f: {  	[sflag:s16] =	ssyncset.done @p3 $0x0  }
0x60: {  	s14 =	simm.s32 @!p3 $0x50;
	[sflag:s16] =	ssyncadd.s32 @p3 $0xFFFFD800  }
0x61: {  	[tilespmem:s11], [sflag:$0x2] =	stream.linear.gather @p3 [hbm4b:s12+s13], $0x50, $0x38;
	[tilespmem:$0x1E100] =	vst v63  }
0x62: {  	s9 =	rddreg [dreg:$0x3];
	s11 =	simm.s32 @!p3 $0x0;
	s13 =	simm.s32 @!p3 $0x2880  }
0x63: {  	[tilespmem:s13], [sflag:$0x3] =	stream.linear.gather @!p3 [hbm4b:s9+s11], $0x50, $0x38;
	[tilespmem:$0x1E100] =	vst v63  }
0x64: {  	s15 =	simm.s32 @!p3 $0x7900;
	s16 =	simm.s32 @!p3 $0x2;
	s9 =	simm.s32 @!p3 $0xA0  }
0x65: {  	[tilespmem:s15], [sflag:$0x3] =	stream.indirect.gather @!p3 [hbm4b:s5+s14], $0x80, s9, s14, $0xb8;
	[tilespmem:$0x1E100] =	vst v63  }
0x66: {  	_ =	swait.ge @!p3 [sflag:s16], $0x50  }
0x67: {  	[sflag:s16] =	ssyncset.done @!p3 $0x0  }
0x68: {  	[sflag:s16] =	ssyncadd.s32 @!p3 $0xFFFFFFB0  }
0x69: {  	_ =	swait.ge @!p3 [sflag:s16], $0x2800  }
0x6a: {  	s18 =	simm.s32 @!p3 $0x5100;
	[sflag:s16] =	ssyncset.done @!p3 $0x0  }
0x6b: {  	s9 =	simm.s32 @!p3 $0x2800;
	[sflag:s16] =	ssyncadd.s32 @!p3 $0xFFFFD800;
	s16 =	simm.s32 @!p3 $0x4  }
0x6c: {  	[spmem:s2] =	stream.indirect.scatter.add.f32 @!p3 [tilespmem:s18], [sflag:$0x5], $0x80, s9, s14, $0xb8;
	[tilespmem:$0x1E100] =	vst v63  }
0x6d: {  	_ =	swait.ge @!p3 [sflag:s16], $0x2800  }
0x6e: {  	[sflag:s16] =	ssyncset.done @!p3 $0x0  }
0x6f: {  	s18 =	rddreg [dreg:$0x4];
	[sflag:s16] =	ssyncadd.s32 @!p3 $0xFFFFD800;
	s16 =	simm.s32 @!p3 $0x2780  }
0x70: {  	[tilespmem:s16], [sflag:$0x1] =	stream.linear.gather @!p3 [hbm4b:s18+s11], $0x50, $0x38;
	[tilespmem:$0x1E100] =	vst v63  }
0x71: {  	s16 =	simm.s32 @!p3 $0xF0;
	s18 =	simm.s32 @!p3 $0x2900  }
0x72: {  	[tilespmem:s18], [sflag:$0x1] =	stream.indirect.gather @!p3 [hbm4b:s5+s14], $0x80, s16, s14, $0xb8;
	[tilespmem:$0x1E100] =	vst v63  }
0x73: {  	s16 =	simm.s32 @!p3 $0x3  }
0x74: {  	_ =	swait.ge @!p3 [sflag:s16], $0x50  }
0x75: {  	[sflag:s16] =	ssyncset.done @!p3 $0x0  }
0x76: {  	[sflag:s16] =	ssyncadd.s32 @!p3 $0xFFFFFFB0  }
0x77: {  	_ =	swait.ge @!p3 [sflag:s16], $0x2800  }
0x78: {  	[sflag:s16] =	ssyncset.done @!p3 $0x0  }
0x79: {  	[sflag:s16] =	ssyncadd.s32 @!p3 $0xFFFFD800  }
0x7a: {  	[spmem:s2] =	stream.indirect.scatter.add.f32 @!p3 [tilespmem:s15], [sflag:$0x6], $0x80, s13, s14, $0xb8;
	[tilespmem:$0x1E100] =	vst v63  }
0x7b: {  	s13 =	simm.s32 @!p3 $0x5  }
0x7c: {  	_ =	swait.ge @!p3 [sflag:s13], $0x2800  }
0x7d: {  	s16 =	smov.u32 s0;
	s15 =	smov.u32 s12;
	[sflag:s13] =	ssyncset.done @!p3 $0x0  }
0x7e: {  	s14 =	rddreg [dreg:$0x5];
	[sflag:s13] =	ssyncadd.s32 @!p3 $0xFFFFD800;
	s13 =	simm.s32 @p3 $0x140  }
0x7f: {  	[tilespmem:s9], [sflag:$0x2] =	stream.linear.gather @!p3 [hbm4b:s14+s11], $0x50, $0x38;
	[tilespmem:$0x1E100] =	vst v63  }
0x80: {  	s9 =	simm.s32 $0x3C0;
	s13 =	simm.s32 @!p3 $0x140;
	s11 =	sadd.s32 $0x1E, s17  }
.LBB2_2:
0x81: {  	[tilespmem:s26], [sflag:$0x2] =	stream.indirect.gather [hbm4b:s5+s23], $0x80, s13, s23, $0xb8;
	[tilespmem:$0x1E100] =	vst v63  }
0x82: {  	_ =	swait.ge [sflag:s28], $0x50  }
0x83: {  	[sflag:s28] =	ssyncset.done $0x0  }
0x84: {  	[sflag:s28] =	ssyncadd.s32 $0xFFFFFFB0  }
0x85: {  	s14 =	smov.u32 s9;
	_ =	swait.ge [sflag:s28], $0x2800  }
0x86: {  	p4 =	sne.s32 s14, $0x0;
	[sflag:s28] =	ssyncset.done $0x0  }
0x87: {  	s13 =	simm.s32 @p4 $0x6;
	[sflag:s28] =	ssyncadd.s32 $0xFFFFD800  }
0x88: {  	[spmem:s2] =	stream.indirect.scatter.add.f32 [tilespmem:s24], [sflag:$0x4], $0x80, s22, s23, $0xb8;
	[tilespmem:$0x1E100] =	vst v63  }
0x89: {  	_ =	swait.ge @p4 [sflag:s13], $0x2800  }
0x8a: {  	s14 =	sshra.s32 @p4 s14, $0x2;
	s18 =	simm.s32 @p4 $0x0;
	[sflag:s13] =	ssyncset.done @p4 $0x0  }
0x8b: {  	s20 =	simm.s32 @p4 $0x2880;
	s10 =	simm.s32 @p4 $0x50;
	[sflag:s13] =	ssyncadd.s32 @p4 $0xFFFFD800  }
0x8c: {  	[tilespmem:s20], [sflag:$0x3] =	stream.linear.gather @p4 [hbm4b:s11+s18], $0x50, $0x38;
	[tilespmem:$0x1E100] =	vst v63  }
0x8d: {  	s30 =	simm.s32 @p4 $0x7900;
	s31 =	simm.s32 @p4 $0x2;
	s19 =	sadd.s32 @p4 $0xA0, s14  }
0x8e: {  	[tilespmem:s30], [sflag:$0x3] =	stream.indirect.gather @p4 [hbm4b:s5+s10], $0x80, s19, s10, $0xb8;
	[tilespmem:$0x1E100] =	vst v63  }
0x8f: {  	_ =	swait.ge @p4 [sflag:s31], $0x50  }
0x90: {  	[sflag:s31] =	ssyncset.done @p4 $0x0  }
0x91: {  	[sflag:s31] =	ssyncadd.s32 @p4 $0xFFFFFFB0  }
0x92: {  	s1 =	sadd.s32 @p4 $0xF0, s14;
	_ =	swait.ge @p4 [sflag:s31], $0x2800  }
0x93: {  	s13 =	sadd.s32 @p4 $0x140, s14;
	s14 =	simm.s32 @p4 $0x5100;
	[sflag:s31] =	ssyncset.done @p4 $0x0  }
0x94: {  	s19 =	simm.s32 @p4 $0x2800;
	[sflag:s31] =	ssyncadd.s32 @p4 $0xFFFFD800;
	s31 =	simm.s32 @p4 $0x4  }
0x95: {  	[spmem:s2] =	stream.indirect.scatter.add.f32 @p4 [tilespmem:s14], [sflag:$0x5], $0x80, s19, s10, $0xb8;
	[tilespmem:$0x1E100] =	vst v63  }
0x96: {  	s16 =	sadd.s32 $0xF0, s16;
	_ =	swait.ge @p4 [sflag:s31], $0x2800  }
0x97: {  	s25 =	sshrl.u32 @p4 s16, $0x3;
	[sflag:s31] =	ssyncset.done @p4 $0x0  }
0x98: {  	s25 =	sadd.s32 @p4 s4, s25;
	s14 =	simm.s32 @p4 $0x2780;
	[sflag:s31] =	ssyncadd.s32 @p4 $0xFFFFD800  }
0x99: {  	[tilespmem:s14], [sflag:$0x1] =	stream.linear.gather @p4 [hbm4b:s25+s18], $0x50, $0x38;
	[tilespmem:$0x1E100] =	vst v63  }
0x9a: {  	s31 =	simm.s32 @p4 $0x2900;
	s14 =	simm.s32 @p4 $0x3  }
0x9b: {  	[tilespmem:s31], [sflag:$0x1] =	stream.indirect.gather @p4 [hbm4b:s5+s10], $0x80, s1, s10, $0xb8;
	[tilespmem:$0x1E100] =	vst v63  }
0x9c: {  	_ =	swait.ge @p4 [sflag:s14], $0x50  }
0x9d: {  	[sflag:s14] =	ssyncset.done @p4 $0x0  }
0x9e: {  	[sflag:s14] =	ssyncadd.s32 @p4 $0xFFFFFFB0  }
0x9f: {  	_ =	swait.ge @p4 [sflag:s14], $0x2800  }
0xa0: {  	[sflag:s14] =	ssyncset.done @p4 $0x0  }
0xa1: {  	s1 =	simm.s32 @p4 $0x5;
	[sflag:s14] =	ssyncadd.s32 @p4 $0xFFFFD800  }
0xa2: {  	[spmem:s2] =	stream.indirect.scatter.add.f32 @p4 [tilespmem:s30], [sflag:$0x6], $0x80, s20, s10, $0xb8;
	[tilespmem:$0x1E100] =	vst v63  }
0xa3: {  	_ =	swait.ge @p4 [sflag:s1], $0x2800  }
0xa4: {  	[sflag:s1] =	ssyncset.done @p4 $0x0  }
0xa5: {  	s15 =	sadd.s32 $0x1E, s15;
	s14 =	simm.s32 @!p4 $0x0;
	[sflag:s1] =	ssyncadd.s32 @p4 $0xFFFFD800  }
0xa6: {  	[tilespmem:s19], [sflag:$0x2] =	stream.linear.gather @p4 [hbm4b:s15+s18], $0x50, $0x38;
	[tilespmem:$0x1E100] =	vst v63  }
0xa7: {  	s20 =	simm.s32 @!p4 $0x7900;
	s10 =	rddreg [dreg:$0x3];
	s1 =	simm.s32 @!p4 $0x2880  }
0xa8: {  	[tilespmem:s1], [sflag:$0x3] =	stream.linear.gather @!p4 [hbm4b:s10+s14], $0x50, $0x38;
	[tilespmem:$0x1E100] =	vst v63  }
0xa9: {  	s18 =	simm.s32 @!p4 $0x50;
	s19 =	simm.s32 @!p4 $0xA0;
	s10 =	simm.s32 @!p4 $0x2  }
0xaa: {  	[tilespmem:s20], [sflag:$0x3] =	stream.indirect.gather @!p4 [hbm4b:s5+s18], $0x80, s19, s18, $0xb8;
	[tilespmem:$0x1E100] =	vst v63  }
0xab: {  	_ =	swait.ge @!p4 [sflag:s10], $0x50  }
0xac: {  	[sflag:s10] =	ssyncset.done @!p4 $0x0  }
0xad: {  	[sflag:s10] =	ssyncadd.s32 @!p4 $0xFFFFFFB0  }
0xae: {  	_ =	swait.ge @!p4 [sflag:s10], $0x2800  }
0xaf: {  	s25 =	simm.s32 @!p4 $0x5100;
	[sflag:s10] =	ssyncset.done @!p4 $0x0  }
0xb0: {  	s19 =	simm.s32 @!p4 $0x2800;
	[sflag:s10] =	ssyncadd.s32 @!p4 $0xFFFFD800;
	s10 =	simm.s32 @!p4 $0x4  }
0xb1: {  	[spmem:s2] =	stream.indirect.scatter.add.f32 @!p4 [tilespmem:s25], [sflag:$0x5], $0x80, s19, s18, $0xb8;
	[tilespmem:$0x1E100] =	vst v63  }
0xb2: {  	_ =	swait.ge @!p4 [sflag:s10], $0x2800  }
0xb3: {  	[sflag:s10] =	ssyncset.done @!p4 $0x0  }
0xb4: {  	s25 =	rddreg [dreg:$0x4];
	[sflag:s10] =	ssyncadd.s32 @!p4 $0xFFFFD800;
	s10 =	simm.s32 @!p4 $0x2780  }
0xb5: {  	[tilespmem:s10], [sflag:$0x1] =	stream.linear.gather @!p4 [hbm4b:s25+s14], $0x50, $0x38;
	[tilespmem:$0x1E100] =	vst v63  }
0xb6: {  	s31 =	simm.s32 @!p4 $0x2900;
	s30 =	simm.s32 @!p4 $0xF0;
	s10 =	simm.s32 @!p4 $0x3  }
0xb7: {  	[tilespmem:s31], [sflag:$0x1] =	stream.indirect.gather @!p4 [hbm4b:s5+s18], $0x80, s30, s18, $0xb8;
	[tilespmem:$0x1E100] =	vst v63  }
0xb8: {  	_ =	swait.ge @!p4 [sflag:s10], $0x50  }
0xb9: {  	[sflag:s10] =	ssyncset.done @!p4 $0x0  }
0xba: {  	[sflag:s10] =	ssyncadd.s32 @!p4 $0xFFFFFFB0  }
0xbb: {  	_ =	swait.ge @!p4 [sflag:s10], $0x2800  }
0xbc: {  	s9 =	sadd.s32 $0x3C0, s9;
	[sflag:s10] =	ssyncset.done @!p4 $0x0  }
0xbd: {  	p3 =	sne.s32 s9, $0x99C0;
	[sflag:s10] =	ssyncadd.s32 @!p4 $0xFFFFD800  }
0xbe: {  	[spmem:s2] =	stream.indirect.scatter.add.f32 @!p4 [tilespmem:s20], [sflag:$0x6], $0x80, s1, s18, $0xb8;
	[tilespmem:$0x1E100] =	vst v63  }
.Ltmp0:
0xbf: {  	s10 =	simm.s32 @!p4 $0x5;
	(pc) =	sbr.rel @p3 .LBB2_2-.Ltmp0, $4  }
0xc0: {  	_ =	swait.ge @!p4 [sflag:s10], $0x2800  }
0xc1: {  	s13 =	simm.s32 @!p4 $0x140;
	[sflag:s10] =	ssyncset.done @!p4 $0x0  }
0xc2: {  	s11 =	sadd.s32 $0x1E, s11;
	s1 =	rddreg [dreg:$0x5];
	[sflag:s10] =	ssyncadd.s32 @!p4 $0xFFFFD800  }
0xc3: {  	[tilespmem:s19], [sflag:$0x2] =	stream.linear.gather @!p4 [hbm4b:s1+s14], $0x50, $0x38;
	[tilespmem:$0x1E100] =	vst v63  }
0xc4: {  	[tilespmem:s26], [sflag:$0x2] =	stream.indirect.gather [hbm4b:s5+s23], $0x80, s13, s23, $0xb8;
	[tilespmem:$0x1E100] =	vst v63  }
0xc5: {  	_ =	swait.ge [sflag:s28], $0x50  }
0xc6: {  	[sflag:s28] =	ssyncset.done $0x0  }
0xc7: {  	[sflag:s28] =	ssyncadd.s32 $0xFFFFFFB0  }
0xc8: {  	_ =	swait.ge [sflag:s28], $0x2800  }
0xc9: {  	[sflag:s28] =	ssyncset.done $0x0  }
0xca: {  	[sflag:s28] =	ssyncadd.s32 $0xFFFFD800  }
0xcb: {  	[spmem:s2] =	stream.indirect.scatter.add.f32 [tilespmem:s24], [sflag:$0x4], $0x80, s22, s23, $0xb8;
	[tilespmem:$0x1E100] =	vst v63  }
0xcc: {  	_ =	swait.ge [sflag:s29], $0x50  }
0xcd: {  	[sflag:s29] =	ssyncset.done $0x0  }
0xce: {  	[sflag:s29] =	ssyncadd.s32 $0xFFFFFFB0  }
0xcf: {  	_ =	swait.ge [sflag:s29], $0x2800  }
0xd0: {  	[sflag:s29] =	ssyncset.done $0x0  }
0xd1: {  	s13 =	simm.s32 $0x2800;
	s1 =	simm.s32 $0x4;
	[sflag:s29] =	ssyncadd.s32 $0xFFFFD800  }
0xd2: {  	[spmem:s2] =	stream.indirect.scatter.add.f32 [tilespmem:s26], [sflag:$0x5], $0x80, s13, s23, $0xb8;
	[tilespmem:$0x1E100] =	vst v63  }
0xd3: {  	_ =	swait.ge [sflag:s1], $0x2800  }
0xd4: {  	[sflag:s1] =	ssyncset.done $0x0  }
0xd5: {  	s20 =	simm.s32 $0x5;
	[sflag:s1] =	ssyncadd.s32 $0xFFFFD800  }
0xd6: {  	_ =	swait.ge [sflag:s20], $0x2800  }
0xd7: {  	[sflag:s20] =	ssyncset.done $0x0  }
0xd8: {  	s25 =	simm.s32 $0x6;
	[sflag:s20] =	ssyncadd.s32 $0xFFFFD800  }
0xd9: {  	_ =	swait.ge [sflag:s25], $0x2800  }
0xda: {  	[sflag:s25] =	ssyncset.done $0x0  }
0xdb: {  	s18 =	stileid.u32;
	[sflag:s25] =	ssyncadd.s32 $0xFFFFD800  }
0xdc: {  	s30 =	sshll.u32 s18, $0x6;
	[bflag:$0x0] =	sbarrier.arrive $0xFFFF  }
0xdd: {  	s9 =	sshrl.u32 s7, $0x3;
	s1 =	sor.u32 $0x1C07, s30;
	s10 =	rddreg [dreg:$0xb]  }
0xde: {  	[hbm:s10], [sflag:s1] =	dma.local [spmem:s9], $0x2800  }
0xdf: {  	_ =	swait.ge [sflag:s21], $0x2800  }
0xe0: {  	s8 =	sadd.s32 $0x1, s8;
	s31 =	rddreg [dreg:$0xc]  }
0xe1: {  	p3 =	sne.s32 s8, s31  }
.Ltmp1:
0xe2: {  	_ = 	snop;
	(pc) =	sbr.rel @p3 .LBB2_1-.Ltmp1, $3  }
0xe3: {  	_ =	sdelay $0x1  }
0xe4: {  	[sflag:s21] =	ssyncset.done $0x0  }
0xe5: {  	[sflag:s21] =	ssyncadd.s32 $0xFFFFD800  }
0xe6: {  	_ =	sfence.sel $0x180000  }
0xe7: {  	[bflag:$0x0] =	sbarrier.arrive $0xFFFF  }
0xe8: {  	_ =	strace $0x9000004A  }
0xe9: {  	[bflag:$0x2] =	sbarrier.arrive $0xFFFF  }
0xea: {  	p0 =	sne.s32 s18, $0x0;
	s0 =	rddreg [dreg:$0x2]  }
0xeb: {  	s0 =	sadd.s32 @!p0 $0x100000, s0  }
0xec: {  	[sflag:s0] =	ssyncadd.tile.s32 @!p0 $0x1;
	_ =	shalt  }
.Lfunc_end2:
_tile_overlayer_lowered:
.L_overlay_start_2:
0xed: {  	(tag) =	ssettag $0x2  }
0xee: {  	s0 =	rddreg [dreg:$0x0];
	s2 =	stileid.u32  }
0xef: {  	s1 =	rddreg [dreg:$0x1];
	p0 =	sne.s32 s2, $0x0  }
0xf0: {  	s3 =	rddreg [dreg:$0x2];
	[bflag:$0x3] =	sbarrier.arrive $0xFFFF;
	s2 =	simm.s32 @!p0 $0x1C07  }
0xf1: {  	[timem:s3], [sflag:s2] =	dma.local @!p0 [hbm:s0], s1  }
0xf2: {  	s0 =	simm.s32 @!p0 $0x7  }
0xf3: {  	_ =	swait.ge @!p0 [sflag:s0], s1  }
0xf4: {  	s1 =	ssub.s32 @!p0 $0x0, s1;
	[sflag:s0] =	ssyncset.done @!p0 $0x0  }
0xf5: {  	[sflag:s0] =	ssyncadd.s32 @!p0 s1  }
0xf6: {  	[bflag:$0x3] =	sbarrier.arrive $0xFFFF  }
0xf7: {  	_ =	shalt  }

</sc_bundles>
